<compile_context>
chip_gen: v7x
topology: tpu7x:2x2x1
jax: 0.10.2.dev20260603
libtpu: 0.0.44.dev20260713+nightly
codegen_flags: <defaults>
</compile_context>

<pallas_src>
import functools
import math

import jax
import jax.numpy as jnp
from jax import lax
from jax.experimental import pallas as pl
from jax.experimental.pallas import tpu as pltpu
from jax.experimental.pallas import tpu_sc as plsc

DECAY = 0.99
TOP_K = 8


def _proj_kernel(mem_ref, wk_ref, imp_ref, age_ref, kp_ref, bias_ref):
    kp_ref[...] = jnp.dot(mem_ref[...], wk_ref[...],
                          preferred_element_type=jnp.float32)
    eff = imp_ref[...] * jnp.exp(age_ref[...] * math.log(DECAY))
    bias_ref[...] = jnp.maximum(jnp.log(eff), -10.0)


def _select_kernel(q_ref, wq_ref, kp_ref, bias_ref, mem_ref,
                   idx_ref, w_ref, ret_ref, s_ref):
    tl = q_ref.shape[1]
    d = q_ref.shape[-1]
    qp = jnp.dot(q_ref[0], wq_ref[...], preferred_element_type=jnp.float32)
    s = jax.lax.dot_general(qp, kp_ref[...], (((1,), (1,)), ((), ())),
                            preferred_element_type=jnp.float32)
    s = s * (1.0 / math.sqrt(d)) + bias_ref[...]
    s_ref[...] = s

    n_slots = s.shape[-1]
    neg_inf = jnp.float32(-jnp.inf)
    iota = jax.lax.broadcasted_iota(jnp.int32, (tl, n_slots), 1)

    work = s
    ms, idxs = [], []
    for i in range(TOP_K):
        m = jnp.max(work, axis=1, keepdims=True)
        eq = work == m
        idxs.append(jnp.max(jnp.where(eq, iota, -1), axis=1, keepdims=True))
        ms.append(m)
        work = jnp.where(eq, neg_inf, work)
    m0 = ms[0]
    sel = work == neg_inf
    e = jnp.where(sel, jnp.exp(s - m0), 0.0)
    denom = jnp.sum(e, axis=1, keepdims=True)
    attn = e / denom
    ret_ref[0] = jnp.dot(attn, mem_ref[...],
                         preferred_element_type=jnp.float32)
    idx_ref[...] = jnp.concatenate(idxs, axis=1)
    w_ref[...] = jnp.concatenate(
        [jnp.exp(m - m0) / denom for m in ms], axis=1)
    n_sel = jnp.sum(sel.astype(jnp.float32))

    @pl.when(n_sel != float(TOP_K * tl))
    def _exact_repair():
        sc = s_ref[...]
        work2 = sc
        idxs2, ms2 = [], []
        for _ in range(TOP_K):
            m = jnp.max(work2, axis=1, keepdims=True)
            first = jnp.min(jnp.where(work2 == m, iota, n_slots), axis=1,
                            keepdims=True)
            idxs2.append(first)
            ms2.append(m)
            work2 = jnp.where(iota == first, neg_inf, work2)
        mr = ms2[0]
        e2 = jnp.where(work2 == neg_inf, jnp.exp(sc - mr), 0.0)
        den2 = jnp.sum(e2, axis=1, keepdims=True)
        ret_ref[0] = jnp.dot(e2 / den2, mem_ref[...],
                             preferred_element_type=jnp.float32)
        idx_ref[...] = jnp.concatenate(idxs2, axis=1)
        w_ref[...] = jnp.concatenate(
            [jnp.exp(m - mr) / den2 for m in ms2], axis=1)


def _make_sc_scatter(R, S, nw):
    rpw = R // nw
    nchunks = rpw // 16
    mesh = plsc.VectorSubcoreMesh(core_axis_name="c", subcore_axis_name="s")

    del nchunks
    nblk = rpw // 128

    @functools.partial(
        pl.kernel, mesh=mesh,
        out_type=jax.ShapeDtypeStruct((R * S,), jnp.float32),
        scratch_types=[
            pltpu.VMEM((TOP_K, rpw), jnp.int32),
            pltpu.VMEM((TOP_K, rpw), jnp.float32),
            pltpu.VMEM((16 * S,), jnp.float32),
            pltpu.VMEM((TOP_K * nblk, 128), jnp.int32),
            pltpu.SemaphoreType.DMA,
        ],
    )
    def sc_scatter(idx_hbm, w_hbm, zeros_hbm, out_hbm, idx_v, w_v, ztile_v,
                   pos_v, sem):
        nc = jax.lax.axis_size("c")
        wid = lax.axis_index("s") * nc + lax.axis_index("c")
        base = wid * rpw
        iota16 = lax.iota(jnp.int32, 16)
        pltpu.sync_copy(idx_hbm.at[wid], idx_v)
        pltpu.sync_copy(w_hbm.at[wid], w_v)
        pltpu.sync_copy(zeros_hbm, ztile_v)

        def zfill(c, carry):
            pltpu.sync_copy(
                ztile_v, out_hbm.at[pl.ds((base + c * 16) * S, 16 * S)])
            return carry

        lax.fori_loop(0, rpw // 16, zfill, 0)

        def posbuild(jj, carry):
            j = jj // nblk
            r0 = (jj % nblk) * 128
            for k in range(8):
                rows = base + r0 + k * 16 + iota16
                cols = idx_v[j, pl.ds(r0 + k * 16, 16)]
                pos_v[jj, pl.ds(k * 16, 16)] = rows * S + cols
            return carry

        lax.fori_loop(0, TOP_K * nblk, posbuild, 0)

        def scatter(jj, carry):
            j = jj // nblk
            r0 = (jj % nblk) * 128
            pltpu.async_copy(w_v.at[j, pl.ds(r0, 128)],
                             out_hbm.at[pos_v.at[jj]], sem).wait()
            return carry

        lax.fori_loop(0, TOP_K * nblk, scatter, 0)

    return sc_scatter


def kernel(query, memory, importance, age, W_q, W_k, top_k):
    B, L, d = query.shape
    S = memory.shape[1]
    R = B * L
    mem2d = memory.reshape(S, d)

    kp, bias = pl.pallas_call(
        _proj_kernel,
        out_shape=[
            jax.ShapeDtypeStruct((S, d), jnp.float32),
            jax.ShapeDtypeStruct((1, S), jnp.float32),
        ],
    )(mem2d, W_k, importance, age)

    tl = min(512, L)
    nlt = L // tl
    grid = (B, nlt)
    idx, w, ret = pl.pallas_call(
        _select_kernel,
        grid=grid,
        in_specs=[
            pl.BlockSpec((1, tl, d), lambda b, l: (b, l, 0)),
            pl.BlockSpec((d, d), lambda b, l: (0, 0)),
            pl.BlockSpec((S, d), lambda b, l: (0, 0)),
            pl.BlockSpec((1, S), lambda b, l: (0, 0)),
            pl.BlockSpec((S, d), lambda b, l: (0, 0)),
        ],
        out_specs=[
            pl.BlockSpec((tl, TOP_K), lambda b, l: (b * nlt + l, 0)),
            pl.BlockSpec((tl, TOP_K), lambda b, l: (b * nlt + l, 0)),
            pl.BlockSpec((1, tl, d), lambda b, l: (b, l, 0)),
        ],
        out_shape=[
            jax.ShapeDtypeStruct((R, TOP_K), jnp.int32),
            jax.ShapeDtypeStruct((R, TOP_K), jnp.float32),
            jax.ShapeDtypeStruct((B, L, d), jnp.float32),
        ],
        scratch_shapes=[
            pltpu.VMEM((tl, S), jnp.float32),
        ],
        compiler_params=pltpu.CompilerParams(
            dimension_semantics=("parallel", "parallel")),
    )(query, W_q, kp, bias, mem2d)

    info = plsc.get_sparse_core_info()
    nw = info.num_cores * info.num_subcores
    rpw = R // nw
    idx_t = idx.reshape(nw, rpw, TOP_K).transpose(0, 2, 1)
    w_t = w.reshape(nw, rpw, TOP_K).transpose(0, 2, 1)
    zeros = jnp.zeros((16 * S,), jnp.float32)
    attn_flat = _make_sc_scatter(R, S, nw)(idx_t, w_t, zeros)
    return ret, attn_flat.reshape(B, L, S)

# --- scband reference (transcript-rebuilt; emitter-appended) ---
"""Pipeline reference for scband-memory-bank-41772851921156 (READ-ONLY COPY).

The authoritative reference and input builder live on the scoring server;
editing this copy changes nothing except your own understanding.
"""

import math
import jax, jax.numpy as jnp
import numpy as np

DECAY = 0.99
NUM_SLOTS = 1024
DIM = 128


def setup_inputs(seed: int = 0) -> dict:
    key = jax.random.key(seed)
    ks = jax.random.split(key, 4)
    query = jax.random.normal(ks[0], (16, 2048, DIM), dtype=jnp.float32)
    # buffers / state of the memory bank (treated as inputs)
    memory = jax.random.normal(ks[1], (1, NUM_SLOTS, DIM), dtype=jnp.float32) * 0.02
    importance = jnp.ones((1, NUM_SLOTS), dtype=jnp.float32)
    age = jnp.zeros((1, NUM_SLOTS), dtype=jnp.float32)
    # learned projections (torch nn.Linear(dim, dim, bias=False); y = x @ W)
    W_q = jax.random.normal(ks[2], (DIM, DIM), dtype=jnp.float32) * (1.0 / math.sqrt(DIM))
    W_k = jax.random.normal(ks[3], (DIM, DIM), dtype=jnp.float32) * (1.0 / math.sqrt(DIM))
    return {"query": query, "memory": memory, "importance": importance, "age": age,
            "W_q": W_q, "W_k": W_k, "top_k": 8}


def reference(query, memory, importance, age, W_q, W_k, top_k):
    # Faithful port of MemoryBank.read(query, top_k)
    B, L, d = query.shape
    S = memory.shape[1]
    mem = jnp.broadcast_to(memory, (B, S, d))
    imp = jnp.broadcast_to(importance, (B, S))
    ag = jnp.broadcast_to(age, (B, S))
    q = query @ W_q
    k = mem @ W_k
    scores = jnp.einsum('bld,bsd->bls', q, k) / math.sqrt(d)
    effective_importance = imp * (DECAY ** ag)
    scores = scores + jnp.clip(jnp.log(effective_importance), -10.0, None)[:, None, :]
    scores = scores + 0.0 * top_k
    top_k_static = 8
    if top_k_static < S:
        topk_scores, topk_idx = jax.lax.top_k(scores, top_k_static)
        bi = jnp.arange(B)[:, None, None]
        li = jnp.arange(L)[None, :, None]
        mask = jnp.zeros_like(scores).at[bi, li, topk_idx].set(1.0)
        scores = jnp.where(mask == 0, -jnp.inf, scores)
    attn_weights = jax.nn.softmax(scores, axis=-1)
    retrieved = jnp.einsum('bls,bsd->bld', attn_weights, mem)
    return retrieved, attn_weights

if __name__ == "__main__":
    import jax
    _d = setup_inputs()
    print(jax.jit(kernel)(*tuple(_d.values())))

</pallas_src>

<mosaic_0001>
#map = affine_map<(d0, d1) -> (0, 0, 0)>
#map1 = affine_map<(d0, d1) -> (0)>
module attributes {stable_mosaic.version = 14 : i64} {
  func.func @sc_scatter(%arg0: i32, %arg1: i32, %arg2: memref<32x8x1024xi32, #tpu.memory_space<hbm>>, %arg3: memref<32x8x1024xf32, #tpu.memory_space<hbm>>, %arg4: memref<16384xf32, #tpu.memory_space<hbm>>, %arg5: memref<33554432xf32, #tpu.memory_space<hbm>>, %arg6: memref<8x1024xi32, #tpu.memory_space<vmem>>, %arg7: memref<8x1024xf32, #tpu.memory_space<vmem>>, %arg8: memref<16384xf32, #tpu.memory_space<vmem>>, %arg9: memref<64x128xi32, #tpu.memory_space<vmem>>, %arg10: memref<!tpu.dma_semaphore, #tpu.memory_space<semaphore_mem>>) attributes {dimension_semantics = [#tpu.dimension_semantics<core_parallel>, #tpu.dimension_semantics<subcore_parallel>], iteration_bounds = array<i64: 2, 16>, scalar_prefetch = 0 : i64, scratch_operands = 5 : i64, tpu.core_type = #tpu.core_type<sc_vector_subcore>, window_params = [{transform_indices = #map}, {transform_indices = #map}, {transform_indices = #map1}, {transform_indices = #map1}]} {
    %mul3A = arith.constant 2 : i32
    %mul3A_0 = arith.muli %arg1, %mul3A : i32
    %add3A = arith.addi %mul3A_0, %arg0 : i32
    %mul3A_1 = arith.constant 1024 : i32
    %mul3A_2 = arith.muli %add3A, %mul3A_1 : i32
    %iota3A = tpu.iota {dimensions = array<i32: 0>} : vector<16xi32>
    "tpu.region"() ({
      %run_scoped3A = tpu.sem_alloc : memref<!tpu.dma_semaphore, #tpu.memory_space<semaphore_mem>>
      %dma_start3A = arith.constant 0 : i32
      %dma_start3A_20 = arith.constant 0 : i32
      %dma_start3A_21 = tpu.memref_slice %arg2[%add3A, %dma_start3A, %dma_start3A_20] : memref<32x8x1024xi32, #tpu.memory_space<hbm>> -> memref<1x8x1024xi32, #tpu.memory_space<hbm>>
      %dma_start3A_22 = tpu.memref_squeeze %dma_start3A_21 : memref<1x8x1024xi32, #tpu.memory_space<hbm>> -> memref<8x1024xi32, #tpu.memory_space<hbm>>
      %dma_start3A_23 = arith.constant 0 : i32
      %dma_start3A_24 = arith.constant 0 : i32
      %dma_start3A_25 = tpu.memref_slice %arg2[%add3A, %dma_start3A_23, %dma_start3A_24] : memref<32x8x1024xi32, #tpu.memory_space<hbm>> -> memref<1x8x1024xi32, #tpu.memory_space<hbm>>
      %dma_start3A_26 = tpu.memref_squeeze %dma_start3A_25 : memref<1x8x1024xi32, #tpu.memory_space<hbm>> -> memref<8x1024xi32, #tpu.memory_space<hbm>>
      tpu.enqueue_dma source(%dma_start3A_26 : memref<8x1024xi32, #tpu.memory_space<hbm>>) target(%arg6 : memref<8x1024xi32, #tpu.memory_space<vmem>>) target_semaphore(%run_scoped3A : memref<!tpu.dma_semaphore, #tpu.memory_space<semaphore_mem>>)
      %dma_wait3A = arith.constant 0 : i32
      %dma_wait3A_27 = arith.constant 0 : i32
      %dma_wait3A_28 = tpu.memref_slice %arg2[%add3A, %dma_wait3A, %dma_wait3A_27] : memref<32x8x1024xi32, #tpu.memory_space<hbm>> -> memref<1x8x1024xi32, #tpu.memory_space<hbm>>
      %dma_wait3A_29 = tpu.memref_squeeze %dma_wait3A_28 : memref<1x8x1024xi32, #tpu.memory_space<hbm>> -> memref<8x1024xi32, #tpu.memory_space<hbm>>
      %dma_wait3A_30 = arith.constant 0 : i32
      %dma_wait3A_31 = arith.constant 0 : i32
      %dma_wait3A_32 = tpu.memref_slice %arg2[%add3A, %dma_wait3A_30, %dma_wait3A_31] : memref<32x8x1024xi32, #tpu.memory_space<hbm>> -> memref<1x8x1024xi32, #tpu.memory_space<hbm>>
      %dma_wait3A_33 = tpu.memref_squeeze %dma_wait3A_32 : memref<1x8x1024xi32, #tpu.memory_space<hbm>> -> memref<8x1024xi32, #tpu.memory_space<hbm>>
      tpu.wait_dma2 semaphore(%run_scoped3A : memref<!tpu.dma_semaphore, #tpu.memory_space<semaphore_mem>>) src(%dma_wait3A_33 : memref<8x1024xi32, #tpu.memory_space<hbm>>) dst(%arg6 : memref<8x1024xi32, #tpu.memory_space<vmem>>)
      tpu.yield
    }) : () -> ()
    "tpu.region"() ({
      %run_scoped3A = tpu.sem_alloc : memref<!tpu.dma_semaphore, #tpu.memory_space<semaphore_mem>>
      %dma_start3A = arith.constant 0 : i32
      %dma_start3A_20 = arith.constant 0 : i32
      %dma_start3A_21 = tpu.memref_slice %arg3[%add3A, %dma_start3A, %dma_start3A_20] : memref<32x8x1024xf32, #tpu.memory_space<hbm>> -> memref<1x8x1024xf32, #tpu.memory_space<hbm>>
      %dma_start3A_22 = tpu.memref_squeeze %dma_start3A_21 : memref<1x8x1024xf32, #tpu.memory_space<hbm>> -> memref<8x1024xf32, #tpu.memory_space<hbm>>
      %dma_start3A_23 = arith.constant 0 : i32
      %dma_start3A_24 = arith.constant 0 : i32
      %dma_start3A_25 = tpu.memref_slice %arg3[%add3A, %dma_start3A_23, %dma_start3A_24] : memref<32x8x1024xf32, #tpu.memory_space<hbm>> -> memref<1x8x1024xf32, #tpu.memory_space<hbm>>
      %dma_start3A_26 = tpu.memref_squeeze %dma_start3A_25 : memref<1x8x1024xf32, #tpu.memory_space<hbm>> -> memref<8x1024xf32, #tpu.memory_space<hbm>>
      tpu.enqueue_dma source(%dma_start3A_26 : memref<8x1024xf32, #tpu.memory_space<hbm>>) target(%arg7 : memref<8x1024xf32, #tpu.memory_space<vmem>>) target_semaphore(%run_scoped3A : memref<!tpu.dma_semaphore, #tpu.memory_space<semaphore_mem>>)
      %dma_wait3A = arith.constant 0 : i32
      %dma_wait3A_27 = arith.constant 0 : i32
      %dma_wait3A_28 = tpu.memref_slice %arg3[%add3A, %dma_wait3A, %dma_wait3A_27] : memref<32x8x1024xf32, #tpu.memory_space<hbm>> -> memref<1x8x1024xf32, #tpu.memory_space<hbm>>
      %dma_wait3A_29 = tpu.memref_squeeze %dma_wait3A_28 : memref<1x8x1024xf32, #tpu.memory_space<hbm>> -> memref<8x1024xf32, #tpu.memory_space<hbm>>
      %dma_wait3A_30 = arith.constant 0 : i32
      %dma_wait3A_31 = arith.constant 0 : i32
      %dma_wait3A_32 = tpu.memref_slice %arg3[%add3A, %dma_wait3A_30, %dma_wait3A_31] : memref<32x8x1024xf32, #tpu.memory_space<hbm>> -> memref<1x8x1024xf32, #tpu.memory_space<hbm>>
      %dma_wait3A_33 = tpu.memref_squeeze %dma_wait3A_32 : memref<1x8x1024xf32, #tpu.memory_space<hbm>> -> memref<8x1024xf32, #tpu.memory_space<hbm>>
      tpu.wait_dma2 semaphore(%run_scoped3A : memref<!tpu.dma_semaphore, #tpu.memory_space<semaphore_mem>>) src(%dma_wait3A_33 : memref<8x1024xf32, #tpu.memory_space<hbm>>) dst(%arg7 : memref<8x1024xf32, #tpu.memory_space<vmem>>)
      tpu.yield
    }) : () -> ()
    "tpu.region"() ({
      %run_scoped3A = tpu.sem_alloc : memref<!tpu.dma_semaphore, #tpu.memory_space<semaphore_mem>>
      tpu.enqueue_dma source(%arg4 : memref<16384xf32, #tpu.memory_space<hbm>>) target(%arg8 : memref<16384xf32, #tpu.memory_space<vmem>>) target_semaphore(%run_scoped3A : memref<!tpu.dma_semaphore, #tpu.memory_space<semaphore_mem>>)
      tpu.wait_dma2 semaphore(%run_scoped3A : memref<!tpu.dma_semaphore, #tpu.memory_space<semaphore_mem>>) src(%arg4 : memref<16384xf32, #tpu.memory_space<hbm>>) dst(%arg8 : memref<16384xf32, #tpu.memory_space<vmem>>)
      tpu.yield
    }) : () -> ()
    %scan3A = arith.constant 0 : i32
    %scan3A_3 = arith.constant 0 : i32
    %scan3A_4 = arith.constant 64 : i32
    %scan3A_5 = arith.addi %scan3A_3, %scan3A_4 : i32
    %scan3A_6 = arith.constant 1 : i32
    scf.for %scan3A_20 = %scan3A_3 to %scan3A_5 step %scan3A_6  : i32 {
      %mul3A_21 = arith.constant 16 : i32
      %mul3A_22 = arith.muli %scan3A_20, %mul3A_21 : i32
      %add3A_23 = arith.addi %mul3A_2, %mul3A_22 : i32
      %mul3A_24 = arith.constant 1024 : i32
      %mul3A_25 = arith.muli %add3A_23, %mul3A_24 : i32
      "tpu.region"() ({
        %run_scoped3A = tpu.sem_alloc : memref<!tpu.dma_semaphore, #tpu.memory_space<semaphore_mem>>
        %dma_start3A = tpu.memref_slice %arg5[%mul3A_25] : memref<33554432xf32, #tpu.memory_space<hbm>> -> memref<16384xf32, #tpu.memory_space<hbm>>
        %dma_start3A_26 = tpu.memref_slice %arg5[%mul3A_25] : memref<33554432xf32, #tpu.memory_space<hbm>> -> memref<16384xf32, #tpu.memory_space<hbm>>
        tpu.enqueue_dma source(%arg8 : memref<16384xf32, #tpu.memory_space<vmem>>) target(%dma_start3A_26 : memref<16384xf32, #tpu.memory_space<hbm>>) target_semaphore(%run_scoped3A : memref<!tpu.dma_semaphore, #tpu.memory_space<semaphore_mem>>)
        %dma_wait3A = tpu.memref_slice %arg5[%mul3A_25] : memref<33554432xf32, #tpu.memory_space<hbm>> -> memref<16384xf32, #tpu.memory_space<hbm>>
        %dma_wait3A_27 = tpu.memref_slice %arg5[%mul3A_25] : memref<33554432xf32, #tpu.memory_space<hbm>> -> memref<16384xf32, #tpu.memory_space<hbm>>
        tpu.wait_dma2 semaphore(%run_scoped3A : memref<!tpu.dma_semaphore, #tpu.memory_space<semaphore_mem>>) src(%arg8 : memref<16384xf32, #tpu.memory_space<vmem>>) dst(%dma_wait3A_27 : memref<16384xf32, #tpu.memory_space<hbm>>)
        tpu.yield
      }) : () -> ()
    }
    %scan3A_7 = arith.constant 64 : i32
    %scan3A_8 = arith.constant 0 : i32
    %scan3A_9 = arith.constant 0 : i32
    %scan3A_10 = arith.constant 64 : i32
    %scan3A_11 = arith.addi %scan3A_9, %scan3A_10 : i32
    %scan3A_12 = arith.constant 1 : i32
    scf.for %scan3A_20 = %scan3A_9 to %scan3A_11 step %scan3A_12  : i32 {
      %jit3A = arith.constant 8 : i32
      %div3A = arith.divsi %scan3A_20, %jit3A : i32
      %sign3A = arith.constant 0 : i32
      %sign3A_21 = arith.cmpi sgt, %scan3A_20, %sign3A : i32
      %sign3A_22 = arith.extui %sign3A_21 : i1 to i32
      %sign3A_23 = arith.constant 0 : i32
      %sign3A_24 = arith.cmpi slt, %scan3A_20, %sign3A_23 : i32
      %sign3A_25 = arith.extui %sign3A_24 : i1 to i32
      %sign3A_26 = arith.subi %sign3A_22, %sign3A_25 : i32
      %sign3A_27 = arith.constant 0 : i32
      %sign3A_28 = arith.cmpi sgt, %jit3A, %sign3A_27 : i32
      %sign3A_29 = arith.extui %sign3A_28 : i1 to i32
      %sign3A_30 = arith.constant 0 : i32
      %sign3A_31 = arith.cmpi slt, %jit3A, %sign3A_30 : i32
      %sign3A_32 = arith.extui %sign3A_31 : i1 to i32
      %sign3A_33 = arith.subi %sign3A_29, %sign3A_32 : i32
      %ne3A = arith.cmpi ne, %sign3A_26, %sign3A_33 : i32
      %rem3A = arith.remsi %scan3A_20, %jit3A : i32
      %ne3A_34 = arith.constant 0 : i32
      %ne3A_35 = arith.cmpi ne, %rem3A, %ne3A_34 : i32
      %and3A = arith.andi %ne3A, %ne3A_35 : i1
      %sub3A = arith.constant 1 : i32
      %sub3A_36 = arith.subi %div3A, %sub3A : i32
      %select_n3A = arith.select %and3A, %sub3A_36, %div3A : i32
      %jit3A_37 = arith.constant 8 : i32
      %eq3A = arith.constant 0 : i32
      %eq3A_38 = arith.cmpi eq, %jit3A_37, %eq3A : i32
      %jit3A_39 = arith.constant 1 : i32
      %select_n3A_40 = arith.select %eq3A_38, %jit3A_39, %jit3A_37 : i32
      %rem3A_41 = arith.remsi %scan3A_20, %select_n3A_40 : i32
      %ne3A_42 = arith.constant 0 : i32
      %ne3A_43 = arith.cmpi ne, %rem3A_41, %ne3A_42 : i32
      %lt3A = arith.constant 0 : i32
      %lt3A_44 = arith.cmpi slt, %rem3A_41, %lt3A : i32
      %lt3A_45 = arith.constant 0 : i32
      %lt3A_46 = arith.cmpi slt, %select_n3A_40, %lt3A_45 : i32
      %ne3A_47 = arith.xori %lt3A_44, %lt3A_46 : i1
      %and3A_48 = arith.andi %ne3A_47, %ne3A_43 : i1
      %add3A_49 = arith.addi %rem3A_41, %select_n3A_40 : i32
      %select_n3A_50 = arith.select %and3A_48, %add3A_49, %rem3A_41 : i32
      %mul3A_51 = arith.constant 128 : i32
      %mul3A_52 = arith.muli %select_n3A_50, %mul3A_51 : i32
      %add3A_53 = arith.addi %mul3A_2, %mul3A_52 : i32
      %add3A_54 = arith.constant 0 : i32
      %add3A_55 = arith.addi %add3A_53, %add3A_54 : i32
      %add3A_56 = vector.broadcast %add3A_55 : i32 to vector<16xi32>
      %add3A_57 = arith.addi %add3A_56, %iota3A : vector<16xi32>
      %add3A_58 = arith.constant 0 : i32
      %add3A_59 = arith.addi %mul3A_52, %add3A_58 : i32
      %get3A = arith.index_cast %select_n3A : i32 to index
      %get3A_60 = arith.index_cast %add3A_59 : i32 to index
      %get3A_61 = tpu.vector_load %arg6[%get3A, %get3A_60] {strides = array<i32>} : memref<8x1024xi32, #tpu.memory_space<vmem>>, vector<1x16xi32>,
      %get3A_62 = vector.shape_cast %get3A_61 : vector<1x16xi32> to vector<16xi32>
      %mul3A_63 = arith.constant 1024 : i32
      %mul3A_64 = vector.broadcast %mul3A_63 : i32 to vector<16xi32>
      %mul3A_65 = arith.muli %add3A_57, %mul3A_64 : vector<16xi32>
      %add3A_66 = arith.addi %mul3A_65, %get3A_62 : vector<16xi32>
      %swap3A = arith.index_cast %scan3A_20 : i32 to index
      %swap3A_67 = arith.constant 0 : index
      %swap3A_68 = tpu.vector_load %arg9[%swap3A, %swap3A_67] {strides = array<i32>} : memref<64x128xi32, #tpu.memory_space<vmem>>, vector<1x16xi32>,
      %swap3A_69 = vector.shape_cast %swap3A_68 : vector<1x16xi32> to vector<16xi32>
      %swap3A_70 = vector.shape_cast %add3A_66 : vector<16xi32> to vector<1x16xi32>
      tpu.vector_store %arg9[%swap3A, %swap3A_67], %swap3A_70 {strides = array<i32>} : memref<64x128xi32, #tpu.memory_space<vmem>>, vector<1x16xi32>,
      %add3A_71 = arith.addi %mul3A_2, %mul3A_52 : i32
      %add3A_72 = arith.constant 16 : i32
      %add3A_73 = arith.addi %add3A_71, %add3A_72 : i32
      %add3A_74 = vector.broadcast %add3A_73 : i32 to vector<16xi32>
      %add3A_75 = arith.addi %add3A_74, %iota3A : vector<16xi32>
      %add3A_76 = arith.constant 16 : i32
      %add3A_77 = arith.addi %mul3A_52, %add3A_76 : i32
      %get3A_78 = arith.index_cast %select_n3A : i32 to index
      %get3A_79 = arith.index_cast %add3A_77 : i32 to index
      %get3A_80 = tpu.vector_load %arg6[%get3A_78, %get3A_79] {strides = array<i32>} : memref<8x1024xi32, #tpu.memory_space<vmem>>, vector<1x16xi32>,
      %get3A_81 = vector.shape_cast %get3A_80 : vector<1x16xi32> to vector<16xi32>
      %mul3A_82 = arith.constant 1024 : i32
      %mul3A_83 = vector.broadcast %mul3A_82 : i32 to vector<16xi32>
      %mul3A_84 = arith.muli %add3A_75, %mul3A_83 : vector<16xi32>
      %add3A_85 = arith.addi %mul3A_84, %get3A_81 : vector<16xi32>
      %swap3A_86 = arith.index_cast %scan3A_20 : i32 to index
      %swap3A_87 = arith.constant 16 : index
      %swap3A_88 = tpu.vector_load %arg9[%swap3A_86, %swap3A_87] {strides = array<i32>} : memref<64x128xi32, #tpu.memory_space<vmem>>, vector<1x16xi32>,
      %swap3A_89 = vector.shape_cast %swap3A_88 : vector<1x16xi32> to vector<16xi32>
      %swap3A_90 = vector.shape_cast %add3A_85 : vector<16xi32> to vector<1x16xi32>
      tpu.vector_store %arg9[%swap3A_86, %swap3A_87], %swap3A_90 {strides = array<i32>} : memref<64x128xi32, #tpu.memory_space<vmem>>, vector<1x16xi32>,
      %add3A_91 = arith.addi %mul3A_2, %mul3A_52 : i32
      %add3A_92 = arith.constant 32 : i32
      %add3A_93 = arith.addi %add3A_91, %add3A_92 : i32
      %add3A_94 = vector.broadcast %add3A_93 : i32 to vector<16xi32>
      %add3A_95 = arith.addi %add3A_94, %iota3A : vector<16xi32>
      %add3A_96 = arith.constant 32 : i32
      %add3A_97 = arith.addi %mul3A_52, %add3A_96 : i32
      %get3A_98 = arith.index_cast %select_n3A : i32 to index
      %get3A_99 = arith.index_cast %add3A_97 : i32 to index
      %get3A_100 = tpu.vector_load %arg6[%get3A_98, %get3A_99] {strides = array<i32>} : memref<8x1024xi32, #tpu.memory_space<vmem>>, vector<1x16xi32>,
      %get3A_101 = vector.shape_cast %get3A_100 : vector<1x16xi32> to vector<16xi32>
      %mul3A_102 = arith.constant 1024 : i32
      %mul3A_103 = vector.broadcast %mul3A_102 : i32 to vector<16xi32>
      %mul3A_104 = arith.muli %add3A_95, %mul3A_103 : vector<16xi32>
      %add3A_105 = arith.addi %mul3A_104, %get3A_101 : vector<16xi32>
      %swap3A_106 = arith.index_cast %scan3A_20 : i32 to index
      %swap3A_107 = arith.constant 32 : index
      %swap3A_108 = tpu.vector_load %arg9[%swap3A_106, %swap3A_107] {strides = array<i32>} : memref<64x128xi32, #tpu.memory_space<vmem>>, vector<1x16xi32>,
      %swap3A_109 = vector.shape_cast %swap3A_108 : vector<1x16xi32> to vector<16xi32>
      %swap3A_110 = vector.shape_cast %add3A_105 : vector<16xi32> to vector<1x16xi32>
      tpu.vector_store %arg9[%swap3A_106, %swap3A_107], %swap3A_110 {strides = array<i32>} : memref<64x128xi32, #tpu.memory_space<vmem>>, vector<1x16xi32>,
      %add3A_111 = arith.addi %mul3A_2, %mul3A_52 : i32
      %add3A_112 = arith.constant 48 : i32
      %add3A_113 = arith.addi %add3A_111, %add3A_112 : i32
      %add3A_114 = vector.broadcast %add3A_113 : i32 to vector<16xi32>
      %add3A_115 = arith.addi %add3A_114, %iota3A : vector<16xi32>
      %add3A_116 = arith.constant 48 : i32
      %add3A_117 = arith.addi %mul3A_52, %add3A_116 : i32
      %get3A_118 = arith.index_cast %select_n3A : i32 to index
      %get3A_119 = arith.index_cast %add3A_117 : i32 to index
      %get3A_120 = tpu.vector_load %arg6[%get3A_118, %get3A_119] {strides = array<i32>} : memref<8x1024xi32, #tpu.memory_space<vmem>>, vector<1x16xi32>,
      %get3A_121 = vector.shape_cast %get3A_120 : vector<1x16xi32> to vector<16xi32>
      %mul3A_122 = arith.constant 1024 : i32
      %mul3A_123 = vector.broadcast %mul3A_122 : i32 to vector<16xi32>
      %mul3A_124 = arith.muli %add3A_115, %mul3A_123 : vector<16xi32>
      %add3A_125 = arith.addi %mul3A_124, %get3A_121 : vector<16xi32>
      %swap3A_126 = arith.index_cast %scan3A_20 : i32 to index
      %swap3A_127 = arith.constant 48 : index
      %swap3A_128 = tpu.vector_load %arg9[%swap3A_126, %swap3A_127] {strides = array<i32>} : memref<64x128xi32, #tpu.memory_space<vmem>>, vector<1x16xi32>,
      %swap3A_129 = vector.shape_cast %swap3A_128 : vector<1x16xi32> to vector<16xi32>
      %swap3A_130 = vector.shape_cast %add3A_125 : vector<16xi32> to vector<1x16xi32>
      tpu.vector_store %arg9[%swap3A_126, %swap3A_127], %swap3A_130 {strides = array<i32>} : memref<64x128xi32, #tpu.memory_space<vmem>>, vector<1x16xi32>,
      %add3A_131 = arith.addi %mul3A_2, %mul3A_52 : i32
      %add3A_132 = arith.constant 64 : i32
      %add3A_133 = arith.addi %add3A_131, %add3A_132 : i32
      %add3A_134 = vector.broadcast %add3A_133 : i32 to vector<16xi32>
      %add3A_135 = arith.addi %add3A_134, %iota3A : vector<16xi32>
      %add3A_136 = arith.constant 64 : i32
      %add3A_137 = arith.addi %mul3A_52, %add3A_136 : i32
      %get3A_138 = arith.index_cast %select_n3A : i32 to index
      %get3A_139 = arith.index_cast %add3A_137 : i32 to index
      %get3A_140 = tpu.vector_load %arg6[%get3A_138, %get3A_139] {strides = array<i32>} : memref<8x1024xi32, #tpu.memory_space<vmem>>, vector<1x16xi32>,
      %get3A_141 = vector.shape_cast %get3A_140 : vector<1x16xi32> to vector<16xi32>
      %mul3A_142 = arith.constant 1024 : i32
      %mul3A_143 = vector.broadcast %mul3A_142 : i32 to vector<16xi32>
      %mul3A_144 = arith.muli %add3A_135, %mul3A_143 : vector<16xi32>
      %add3A_145 = arith.addi %mul3A_144, %get3A_141 : vector<16xi32>
      %swap3A_146 = arith.index_cast %scan3A_20 : i32 to index
      %swap3A_147 = arith.constant 64 : index
      %swap3A_148 = tpu.vector_load %arg9[%swap3A_146, %swap3A_147] {strides = array<i32>} : memref<64x128xi32, #tpu.memory_space<vmem>>, vector<1x16xi32>,
      %swap3A_149 = vector.shape_cast %swap3A_148 : vector<1x16xi32> to vector<16xi32>
      %swap3A_150 = vector.shape_cast %add3A_145 : vector<16xi32> to vector<1x16xi32>
      tpu.vector_store %arg9[%swap3A_146, %swap3A_147], %swap3A_150 {strides = array<i32>} : memref<64x128xi32, #tpu.memory_space<vmem>>, vector<1x16xi32>,
      %add3A_151 = arith.addi %mul3A_2, %mul3A_52 : i32
      %add3A_152 = arith.constant 80 : i32
      %add3A_153 = arith.addi %add3A_151, %add3A_152 : i32
      %add3A_154 = vector.broadcast %add3A_153 : i32 to vector<16xi32>
      %add3A_155 = arith.addi %add3A_154, %iota3A : vector<16xi32>
      %add3A_156 = arith.constant 80 : i32
      %add3A_157 = arith.addi %mul3A_52, %add3A_156 : i32
      %get3A_158 = arith.index_cast %select_n3A : i32 to index
      %get3A_159 = arith.index_cast %add3A_157 : i32 to index
      %get3A_160 = tpu.vector_load %arg6[%get3A_158, %get3A_159] {strides = array<i32>} : memref<8x1024xi32, #tpu.memory_space<vmem>>, vector<1x16xi32>,
      %get3A_161 = vector.shape_cast %get3A_160 : vector<1x16xi32> to vector<16xi32>
      %mul3A_162 = arith.constant 1024 : i32
      %mul3A_163 = vector.broadcast %mul3A_162 : i32 to vector<16xi32>
      %mul3A_164 = arith.muli %add3A_155, %mul3A_163 : vector<16xi32>
      %add3A_165 = arith.addi %mul3A_164, %get3A_161 : vector<16xi32>
      %swap3A_166 = arith.index_cast %scan3A_20 : i32 to index
      %swap3A_167 = arith.constant 80 : index
      %swap3A_168 = tpu.vector_load %arg9[%swap3A_166, %swap3A_167] {strides = array<i32>} : memref<64x128xi32, #tpu.memory_space<vmem>>, vector<1x16xi32>,
      %swap3A_169 = vector.shape_cast %swap3A_168 : vector<1x16xi32> to vector<16xi32>
      %swap3A_170 = vector.shape_cast %add3A_165 : vector<16xi32> to vector<1x16xi32>
      tpu.vector_store %arg9[%swap3A_166, %swap3A_167], %swap3A_170 {strides = array<i32>} : memref<64x128xi32, #tpu.memory_space<vmem>>, vector<1x16xi32>,
      %add3A_171 = arith.addi %mul3A_2, %mul3A_52 : i32
      %add3A_172 = arith.constant 96 : i32
      %add3A_173 = arith.addi %add3A_171, %add3A_172 : i32
      %add3A_174 = vector.broadcast %add3A_173 : i32 to vector<16xi32>
      %add3A_175 = arith.addi %add3A_174, %iota3A : vector<16xi32>
      %add3A_176 = arith.constant 96 : i32
      %add3A_177 = arith.addi %mul3A_52, %add3A_176 : i32
      %get3A_178 = arith.index_cast %select_n3A : i32 to index
      %get3A_179 = arith.index_cast %add3A_177 : i32 to index
      %get3A_180 = tpu.vector_load %arg6[%get3A_178, %get3A_179] {strides = array<i32>} : memref<8x1024xi32, #tpu.memory_space<vmem>>, vector<1x16xi32>,
      %get3A_181 = vector.shape_cast %get3A_180 : vector<1x16xi32> to vector<16xi32>
      %mul3A_182 = arith.constant 1024 : i32
      %mul3A_183 = vector.broadcast %mul3A_182 : i32 to vector<16xi32>
      %mul3A_184 = arith.muli %add3A_175, %mul3A_183 : vector<16xi32>
      %add3A_185 = arith.addi %mul3A_184, %get3A_181 : vector<16xi32>
      %swap3A_186 = arith.index_cast %scan3A_20 : i32 to index
      %swap3A_187 = arith.constant 96 : index
      %swap3A_188 = tpu.vector_load %arg9[%swap3A_186, %swap3A_187] {strides = array<i32>} : memref<64x128xi32, #tpu.memory_space<vmem>>, vector<1x16xi32>,
      %swap3A_189 = vector.shape_cast %swap3A_188 : vector<1x16xi32> to vector<16xi32>
      %swap3A_190 = vector.shape_cast %add3A_185 : vector<16xi32> to vector<1x16xi32>
      tpu.vector_store %arg9[%swap3A_186, %swap3A_187], %swap3A_190 {strides = array<i32>} : memref<64x128xi32, #tpu.memory_space<vmem>>, vector<1x16xi32>,
      %add3A_191 = arith.addi %mul3A_2, %mul3A_52 : i32
      %add3A_192 = arith.constant 112 : i32
      %add3A_193 = arith.addi %add3A_191, %add3A_192 : i32
      %add3A_194 = vector.broadcast %add3A_193 : i32 to vector<16xi32>
      %add3A_195 = arith.addi %add3A_194, %iota3A : vector<16xi32>
      %add3A_196 = arith.constant 112 : i32
      %add3A_197 = arith.addi %mul3A_52, %add3A_196 : i32
      %get3A_198 = arith.index_cast %select_n3A : i32 to index
      %get3A_199 = arith.index_cast %add3A_197 : i32 to index
      %get3A_200 = tpu.vector_load %arg6[%get3A_198, %get3A_199] {strides = array<i32>} : memref<8x1024xi32, #tpu.memory_space<vmem>>, vector<1x16xi32>,
      %get3A_201 = vector.shape_cast %get3A_200 : vector<1x16xi32> to vector<16xi32>
      %mul3A_202 = arith.constant 1024 : i32
      %mul3A_203 = vector.broadcast %mul3A_202 : i32 to vector<16xi32>
      %mul3A_204 = arith.muli %add3A_195, %mul3A_203 : vector<16xi32>
      %add3A_205 = arith.addi %mul3A_204, %get3A_201 : vector<16xi32>
      %swap3A_206 = arith.index_cast %scan3A_20 : i32 to index
      %swap3A_207 = arith.constant 112 : index
      %swap3A_208 = tpu.vector_load %arg9[%swap3A_206, %swap3A_207] {strides = array<i32>} : memref<64x128xi32, #tpu.memory_space<vmem>>, vector<1x16xi32>,
      %swap3A_209 = vector.shape_cast %swap3A_208 : vector<1x16xi32> to vector<16xi32>
      %swap3A_210 = vector.shape_cast %add3A_205 : vector<16xi32> to vector<1x16xi32>
      tpu.vector_store %arg9[%swap3A_206, %swap3A_207], %swap3A_210 {strides = array<i32>} : memref<64x128xi32, #tpu.memory_space<vmem>>, vector<1x16xi32>,
    }
    %scan3A_13 = arith.constant 64 : i32
    %scan3A_14 = arith.constant 0 : i32
    %scan3A_15 = arith.constant 0 : i32
    %scan3A_16 = arith.constant 64 : i32
    %scan3A_17 = arith.addi %scan3A_15, %scan3A_16 : i32
    %scan3A_18 = arith.constant 1 : i32
    scf.for %scan3A_20 = %scan3A_15 to %scan3A_17 step %scan3A_18  : i32 {
      %jit3A = arith.constant 8 : i32
      %div3A = arith.divsi %scan3A_20, %jit3A : i32
      %sign3A = arith.constant 0 : i32
      %sign3A_21 = arith.cmpi sgt, %scan3A_20, %sign3A : i32
      %sign3A_22 = arith.extui %sign3A_21 : i1 to i32
      %sign3A_23 = arith.constant 0 : i32
      %sign3A_24 = arith.cmpi slt, %scan3A_20, %sign3A_23 : i32
      %sign3A_25 = arith.extui %sign3A_24 : i1 to i32
      %sign3A_26 = arith.subi %sign3A_22, %sign3A_25 : i32
      %sign3A_27 = arith.constant 0 : i32
      %sign3A_28 = arith.cmpi sgt, %jit3A, %sign3A_27 : i32
      %sign3A_29 = arith.extui %sign3A_28 : i1 to i32
      %sign3A_30 = arith.constant 0 : i32
      %sign3A_31 = arith.cmpi slt, %jit3A, %sign3A_30 : i32
      %sign3A_32 = arith.extui %sign3A_31 : i1 to i32
      %sign3A_33 = arith.subi %sign3A_29, %sign3A_32 : i32
      %ne3A = arith.cmpi ne, %sign3A_26, %sign3A_33 : i32
      %rem3A = arith.remsi %scan3A_20, %jit3A : i32
      %ne3A_34 = arith.constant 0 : i32
      %ne3A_35 = arith.cmpi ne, %rem3A, %ne3A_34 : i32
      %and3A = arith.andi %ne3A, %ne3A_35 : i1
      %sub3A = arith.constant 1 : i32
      %sub3A_36 = arith.subi %div3A, %sub3A : i32
      %select_n3A = arith.select %and3A, %sub3A_36, %div3A : i32
      %jit3A_37 = arith.constant 8 : i32
      %eq3A = arith.constant 0 : i32
      %eq3A_38 = arith.cmpi eq, %jit3A_37, %eq3A : i32
      %jit3A_39 = arith.constant 1 : i32
      %select_n3A_40 = arith.select %eq3A_38, %jit3A_39, %jit3A_37 : i32
      %rem3A_41 = arith.remsi %scan3A_20, %select_n3A_40 : i32
      %ne3A_42 = arith.constant 0 : i32
      %ne3A_43 = arith.cmpi ne, %rem3A_41, %ne3A_42 : i32
      %lt3A = arith.constant 0 : i32
      %lt3A_44 = arith.cmpi slt, %rem3A_41, %lt3A : i32
      %lt3A_45 = arith.constant 0 : i32
      %lt3A_46 = arith.cmpi slt, %select_n3A_40, %lt3A_45 : i32
      %ne3A_47 = arith.xori %lt3A_44, %lt3A_46 : i1
      %and3A_48 = arith.andi %ne3A_47, %ne3A_43 : i1
      %add3A_49 = arith.addi %rem3A_41, %select_n3A_40 : i32
      %select_n3A_50 = arith.select %and3A_48, %add3A_49, %rem3A_41 : i32
      %mul3A_51 = arith.constant 128 : i32
      %mul3A_52 = arith.muli %select_n3A_50, %mul3A_51 : i32
      %dma_start3A = tpu.memref_slice %arg7[%select_n3A, %mul3A_52] : memref<8x1024xf32, #tpu.memory_space<vmem>> -> memref<1x128xf32, #tpu.memory_space<vmem>>
      %dma_start3A_53 = tpu.memref_squeeze %dma_start3A : memref<1x128xf32, #tpu.memory_space<vmem>> -> memref<128xf32, #tpu.memory_space<vmem>>
      %dma_start3A_54 = arith.constant 0 : i32
      %dma_start3A_55 = tpu.memref_slice %arg9[%scan3A_20, %dma_start3A_54] : memref<64x128xi32, #tpu.memory_space<vmem>> -> memref<1x128xi32, #tpu.memory_space<vmem>>
      %dma_start3A_56 = tpu.memref_squeeze %dma_start3A_55 : memref<1x128xi32, #tpu.memory_space<vmem>> -> memref<128xi32, #tpu.memory_space<vmem>>
      %dma_start3A_57 = arith.constant 0 : i32
      %dma_start3A_58 = tpu.memref_slice %arg5[%dma_start3A_57] : memref<33554432xf32, #tpu.memory_space<hbm>> -> memref<33554432xf32, #tpu.memory_space<hbm>>
      tpu.enqueue_indirect_dma source(%dma_start3A_53 : memref<128xf32, #tpu.memory_space<vmem>>) target(%dma_start3A_58 : memref<33554432xf32, #tpu.memory_space<hbm>>) offsets(%dma_start3A_56 : memref<128xi32, #tpu.memory_space<vmem>>) semaphore(%arg10 : memref<!tpu.dma_semaphore, #tpu.memory_space<semaphore_mem>>)
      %dma_wait3A = tpu.memref_slice %arg7[%select_n3A, %mul3A_52] : memref<8x1024xf32, #tpu.memory_space<vmem>> -> memref<1x128xf32, #tpu.memory_space<vmem>>
      %dma_wait3A_59 = tpu.memref_squeeze %dma_wait3A : memref<1x128xf32, #tpu.memory_space<vmem>> -> memref<128xf32, #tpu.memory_space<vmem>>
      %dma_wait3A_60 = arith.constant 0 : i32
      %dma_wait3A_61 = tpu.memref_slice %arg9[%scan3A_20, %dma_wait3A_60] : memref<64x128xi32, #tpu.memory_space<vmem>> -> memref<1x128xi32, #tpu.memory_space<vmem>>
      %dma_wait3A_62 = tpu.memref_squeeze %dma_wait3A_61 : memref<1x128xi32, #tpu.memory_space<vmem>> -> memref<128xi32, #tpu.memory_space<vmem>>
      %dma_wait3A_63 = arith.constant 0 : i32
      %dma_wait3A_64 = tpu.memref_slice %arg5[%dma_wait3A_63] : memref<33554432xf32, #tpu.memory_space<hbm>> -> memref<33554432xf32, #tpu.memory_space<hbm>>
      tpu.wait_indirect_dma semaphore(%arg10 : memref<!tpu.dma_semaphore, #tpu.memory_space<semaphore_mem>>) src(%dma_wait3A_59 : memref<128xf32, #tpu.memory_space<vmem>>) dst(%dma_wait3A_64 : memref<33554432xf32, #tpu.memory_space<hbm>>)
    }
    %scan3A_19 = arith.constant 64 : i32
    return
  }
}

module attributes {stable_mosaic.version = 14 : i64} {
  func.func @_proj_kernel(%arg0: memref<1024x128xf32, #tpu.memory_space<vmem>>, %arg1: memref<128x128xf32, #tpu.memory_space<vmem>>, %arg2: memref<1x1024xf32, #tpu.memory_space<vmem>>, %arg3: memref<1x1024xf32, #tpu.memory_space<vmem>>, %arg4: memref<1024x128xf32, #tpu.memory_space<vmem>>, %arg5: memref<1x1024xf32, #tpu.memory_space<vmem>>) attributes {dimension_semantics = [], scalar_prefetch = 0 : i64, scratch_operands = 0 : i64, tpu.core_type = #tpu.core_type<tc>} {
    %get3A = arith.constant 0 : index
    %get3A_0 = arith.constant 0 : index
    %get3A_1 = vector.load %arg0[%get3A, %get3A_0] : memref<1024x128xf32, #tpu.memory_space<vmem>>, vector<1024x128xf32>
    %get3A_2 = arith.constant 0 : index
    %get3A_3 = arith.constant 0 : index
    %get3A_4 = vector.load %arg1[%get3A_2, %get3A_3] : memref<128x128xf32, #tpu.memory_space<vmem>>, vector<128x128xf32>
    %dot_general3A = arith.constant dense<0.000000e+00> : vector<1024x128xf32>
    %dot_general3A_5 = tpu.matmul %get3A_1, %get3A_4, %dot_general3A {dimension_numbers = #tpu.dot_dimension_numbers<[1], [0], [0], [1], [0, 0, 1, 1], [], []>, transpose_lhs_hint = false} : vector<1024x128xf32>, vector<128x128xf32>, vector<1024x128xf32> -> vector<1024x128xf32>
    %swap3A = arith.constant 0 : index
    %swap3A_6 = arith.constant 0 : index
    %swap3A_7 = vector.load %arg4[%swap3A, %swap3A_6] : memref<1024x128xf32, #tpu.memory_space<vmem>>, vector<1024x128xf32>
    tpu.vector_store %arg4[%swap3A, %swap3A_6], %dot_general3A_5 {strides = array<i32>} : memref<1024x128xf32, #tpu.memory_space<vmem>>, vector<1024x128xf32>,
    %get3A_8 = arith.constant 0 : index
    %get3A_9 = arith.constant 0 : index
    %get3A_10 = vector.load %arg2[%get3A_8, %get3A_9] : memref<1x1024xf32, #tpu.memory_space<vmem>>, vector<1x1024xf32>
    %get3A_11 = arith.constant 0 : index
    %get3A_12 = arith.constant 0 : index
    %get3A_13 = vector.load %arg3[%get3A_11, %get3A_12] : memref<1x1024xf32, #tpu.memory_space<vmem>>, vector<1x1024xf32>
    %mul3A = arith.constant -0.0100503359 : f32
    %mul3A_14 = vector.broadcast %mul3A : f32 to vector<1x1024xf32>
    %mul3A_15 = arith.mulf %get3A_13, %mul3A_14 : vector<1x1024xf32>
    %exp3A = math.exp %mul3A_15 : vector<1x1024xf32>
    %mul3A_16 = arith.mulf %get3A_10, %exp3A : vector<1x1024xf32>
    %log3A = math.log %mul3A_16 : vector<1x1024xf32>
    %max3A = arith.constant -1.000000e+01 : f32
    %max3A_17 = vector.broadcast %max3A : f32 to vector<1x1024xf32>
    %max3A_18 = arith.maximumf %log3A, %max3A_17 : vector<1x1024xf32>
    %swap3A_19 = arith.constant 0 : index
    %swap3A_20 = arith.constant 0 : index
    %swap3A_21 = vector.load %arg5[%swap3A_19, %swap3A_20] : memref<1x1024xf32, #tpu.memory_space<vmem>>, vector<1x1024xf32>
    tpu.vector_store %arg5[%swap3A_19, %swap3A_20], %max3A_18 {strides = array<i32>} : memref<1x1024xf32, #tpu.memory_space<vmem>>, vector<1x1024xf32>,
    return
  }
}

module attributes {stable_mosaic.version = 14 : i64} {
  func.func @_select_kernel(%arg0: i32, %arg1: i32, %arg2: memref<1x512x128xf32, #tpu.memory_space<vmem>>, %arg3: memref<128x128xf32, #tpu.memory_space<vmem>>, %arg4: memref<1024x128xf32, #tpu.memory_space<vmem>>, %arg5: memref<1x1024xf32, #tpu.memory_space<vmem>>, %arg6: memref<1024x128xf32, #tpu.memory_space<vmem>>, %arg7: memref<512x8xi32, #tpu.memory_space<vmem>>, %arg8: memref<512x8xf32, #tpu.memory_space<vmem>>, %arg9: memref<1x512x128xf32, #tpu.memory_space<vmem>>, %arg10: memref<512x1024xf32, #tpu.memory_space<vmem>>) attributes {dimension_semantics = [#tpu.dimension_semantics<parallel>, #tpu.dimension_semantics<parallel>], iteration_bounds = array<i64: 16, 4>, scalar_prefetch = 0 : i64, scratch_operands = 1 : i64, tpu.core_type = #tpu.core_type<tc>, window_params = [{transform_indices = @transform_0, window_bounds = array<i64: 1, 512, 128>}, {pipeline_mode = #tpu.pipeline_mode<synchronous>, transform_indices = @transform_1, window_bounds = array<i64: 128, 128>}, {pipeline_mode = #tpu.pipeline_mode<synchronous>, transform_indices = @transform_2, window_bounds = array<i64: 1024, 128>}, {pipeline_mode = #tpu.pipeline_mode<synchronous>, transform_indices = @transform_3, window_bounds = array<i64: 1, 1024>}, {pipeline_mode = #tpu.pipeline_mode<synchronous>, transform_indices = @transform_4, window_bounds = array<i64: 1024, 128>}, {transform_indices = @transform_5, window_bounds = array<i64: 512, 8>}, {transform_indices = @transform_6, window_bounds = array<i64: 512, 8>}, {transform_indices = @transform_7, window_bounds = array<i64: 1, 512, 128>}]} {
    %get3A = arith.constant 0 : index
    %get3A_0 = arith.constant 0 : index
    %get3A_1 = arith.constant 0 : index
    %get3A_2 = vector.load %arg2[%get3A, %get3A_0, %get3A_1] : memref<1x512x128xf32, #tpu.memory_space<vmem>>, vector<1x512x128xf32>
    %get3A_3 = vector.shape_cast %get3A_2 : vector<1x512x128xf32> to vector<512x128xf32>
    %get3A_4 = arith.constant 0 : index
    %get3A_5 = arith.constant 0 : index
    %get3A_6 = vector.load %arg3[%get3A_4, %get3A_5] : memref<128x128xf32, #tpu.memory_space<vmem>>, vector<128x128xf32>
    %dot_general3A = arith.constant dense<0.000000e+00> : vector<512x128xf32>
    %dot_general3A_7 = tpu.matmul %get3A_3, %get3A_6, %dot_general3A {dimension_numbers = #tpu.dot_dimension_numbers<[1], [0], [0], [1], [0, 0, 1, 1], [], []>, transpose_lhs_hint = false} : vector<512x128xf32>, vector<128x128xf32>, vector<512x128xf32> -> vector<512x128xf32>
    %get3A_8 = arith.constant 0 : index
    %get3A_9 = arith.constant 0 : index
    %get3A_10 = vector.load %arg4[%get3A_8, %get3A_9] : memref<1024x128xf32, #tpu.memory_space<vmem>>, vector<1024x128xf32>
    %dot_general3A_11 = arith.constant dense<0.000000e+00> : vector<512x1024xf32>
    %dot_general3A_12 = tpu.matmul %dot_general3A_7, %get3A_10, %dot_general3A_11 {dimension_numbers = #tpu.dot_dimension_numbers<[1], [1], [0], [0], [0, 0, 1, 0], [], []>, transpose_lhs_hint = false} : vector<512x128xf32>, vector<1024x128xf32>, vector<512x1024xf32> -> vector<512x1024xf32>
    %mul3A = arith.constant 0.0883883461 : f32
    %mul3A_13 = vector.broadcast %mul3A : f32 to vector<512x1024xf32>
    %mul3A_14 = arith.mulf %dot_general3A_12, %mul3A_13 : vector<512x1024xf32>
    %get3A_15 = arith.constant 0 : index
    %get3A_16 = arith.constant 0 : index
    %get3A_17 = vector.load %arg5[%get3A_15, %get3A_16] : memref<1x1024xf32, #tpu.memory_space<vmem>>, vector<1x1024xf32>
    %add3A = vector.broadcast %get3A_17 : vector<1x1024xf32> to vector<512x1024xf32>
    %add3A_18 = arith.addf %mul3A_14, %add3A : vector<512x1024xf32>
    %swap3A = arith.constant 0 : index
    %swap3A_19 = arith.constant 0 : index
    %swap3A_20 = vector.load %arg10[%swap3A, %swap3A_19] : memref<512x1024xf32, #tpu.memory_space<vmem>>, vector<512x1024xf32>
    tpu.vector_store %arg10[%swap3A, %swap3A_19], %add3A_18 {strides = array<i32>} : memref<512x1024xf32, #tpu.memory_space<vmem>>, vector<512x1024xf32>,
    %iota3A = tpu.iota {dimensions = array<i32: 1>} : vector<512x1024xi32>
    %reduce_max3A = arith.constant dense<0xFF800000> : vector<512xf32>
    %reduce_max3A_21 = vector.multi_reduction <maximumf>, %add3A_18, %reduce_max3A [1] : vector<512x1024xf32> to vector<512xf32>
    %broadcast_in_dim3A = vector.shape_cast %reduce_max3A_21 : vector<512xf32> to vector<512x1xf32>
    %eq3A = vector.broadcast %broadcast_in_dim3A : vector<512x1xf32> to vector<512x1024xf32>
    %eq3A_22 = arith.cmpf oeq, %add3A_18, %eq3A : vector<512x1024xf32>
    %jit3A = arith.constant -1 : i32
    %broadcast_in_dim3A_23 = vector.broadcast %jit3A : i32 to vector<512x1024xi32>
    %select_n3A = arith.select %eq3A_22, %iota3A, %broadcast_in_dim3A_23 : vector<512x1024xi1>, vector<512x1024xi32>
    %reduce_max3A_24 = arith.constant dense<-2147483648> : vector<512xi32>
    %reduce_max3A_25 = vector.multi_reduction <maxsi>, %select_n3A, %reduce_max3A_24 [1] : vector<512x1024xi32> to vector<512xi32>
    %broadcast_in_dim3A_26 = vector.shape_cast %reduce_max3A_25 : vector<512xi32> to vector<512x1xi32>
    %jit3A_27 = arith.constant 0xFF800000 : f32
    %broadcast_in_dim3A_28 = vector.broadcast %jit3A_27 : f32 to vector<512x1024xf32>
    %select_n3A_29 = arith.select %eq3A_22, %broadcast_in_dim3A_28, %add3A_18 : vector<512x1024xi1>, vector<512x1024xf32>
    %reduce_max3A_30 = arith.constant dense<0xFF800000> : vector<512xf32>
    %reduce_max3A_31 = vector.multi_reduction <maximumf>, %select_n3A_29, %reduce_max3A_30 [1] : vector<512x1024xf32> to vector<512xf32>
    %broadcast_in_dim3A_32 = vector.shape_cast %reduce_max3A_31 : vector<512xf32> to vector<512x1xf32>
    %eq3A_33 = vector.broadcast %broadcast_in_dim3A_32 : vector<512x1xf32> to vector<512x1024xf32>
    %eq3A_34 = arith.cmpf oeq, %select_n3A_29, %eq3A_33 : vector<512x1024xf32>
    %jit3A_35 = arith.constant -1 : i32
    %broadcast_in_dim3A_36 = vector.broadcast %jit3A_35 : i32 to vector<512x1024xi32>
    %select_n3A_37 = arith.select %eq3A_34, %iota3A, %broadcast_in_dim3A_36 : vector<512x1024xi1>, vector<512x1024xi32>
    %reduce_max3A_38 = arith.constant dense<-2147483648> : vector<512xi32>
    %reduce_max3A_39 = vector.multi_reduction <maxsi>, %select_n3A_37, %reduce_max3A_38 [1] : vector<512x1024xi32> to vector<512xi32>
    %broadcast_in_dim3A_40 = vector.shape_cast %reduce_max3A_39 : vector<512xi32> to vector<512x1xi32>
    %jit3A_41 = arith.constant 0xFF800000 : f32
    %broadcast_in_dim3A_42 = vector.broadcast %jit3A_41 : f32 to vector<512x1024xf32>
    %select_n3A_43 = arith.select %eq3A_34, %broadcast_in_dim3A_42, %select_n3A_29 : vector<512x1024xi1>, vector<512x1024xf32>
    %reduce_max3A_44 = arith.constant dense<0xFF800000> : vector<512xf32>
    %reduce_max3A_45 = vector.multi_reduction <maximumf>, %select_n3A_43, %reduce_max3A_44 [1] : vector<512x1024xf32> to vector<512xf32>
    %broadcast_in_dim3A_46 = vector.shape_cast %reduce_max3A_45 : vector<512xf32> to vector<512x1xf32>
    %eq3A_47 = vector.broadcast %broadcast_in_dim3A_46 : vector<512x1xf32> to vector<512x1024xf32>
    %eq3A_48 = arith.cmpf oeq, %select_n3A_43, %eq3A_47 : vector<512x1024xf32>
    %jit3A_49 = arith.constant -1 : i32
    %broadcast_in_dim3A_50 = vector.broadcast %jit3A_49 : i32 to vector<512x1024xi32>
    %select_n3A_51 = arith.select %eq3A_48, %iota3A, %broadcast_in_dim3A_50 : vector<512x1024xi1>, vector<512x1024xi32>
    %reduce_max3A_52 = arith.constant dense<-2147483648> : vector<512xi32>
    %reduce_max3A_53 = vector.multi_reduction <maxsi>, %select_n3A_51, %reduce_max3A_52 [1] : vector<512x1024xi32> to vector<512xi32>
    %broadcast_in_dim3A_54 = vector.shape_cast %reduce_max3A_53 : vector<512xi32> to vector<512x1xi32>
    %jit3A_55 = arith.constant 0xFF800000 : f32
    %broadcast_in_dim3A_56 = vector.broadcast %jit3A_55 : f32 to vector<512x1024xf32>
    %select_n3A_57 = arith.select %eq3A_48, %broadcast_in_dim3A_56, %select_n3A_43 : vector<512x1024xi1>, vector<512x1024xf32>
    %reduce_max3A_58 = arith.constant dense<0xFF800000> : vector<512xf32>
    %reduce_max3A_59 = vector.multi_reduction <maximumf>, %select_n3A_57, %reduce_max3A_58 [1] : vector<512x1024xf32> to vector<512xf32>
    %broadcast_in_dim3A_60 = vector.shape_cast %reduce_max3A_59 : vector<512xf32> to vector<512x1xf32>
    %eq3A_61 = vector.broadcast %broadcast_in_dim3A_60 : vector<512x1xf32> to vector<512x1024xf32>
    %eq3A_62 = arith.cmpf oeq, %select_n3A_57, %eq3A_61 : vector<512x1024xf32>
    %jit3A_63 = arith.constant -1 : i32
    %broadcast_in_dim3A_64 = vector.broadcast %jit3A_63 : i32 to vector<512x1024xi32>
    %select_n3A_65 = arith.select %eq3A_62, %iota3A, %broadcast_in_dim3A_64 : vector<512x1024xi1>, vector<512x1024xi32>
    %reduce_max3A_66 = arith.constant dense<-2147483648> : vector<512xi32>
    %reduce_max3A_67 = vector.multi_reduction <maxsi>, %select_n3A_65, %reduce_max3A_66 [1] : vector<512x1024xi32> to vector<512xi32>
    %broadcast_in_dim3A_68 = vector.shape_cast %reduce_max3A_67 : vector<512xi32> to vector<512x1xi32>
    %jit3A_69 = arith.constant 0xFF800000 : f32
    %broadcast_in_dim3A_70 = vector.broadcast %jit3A_69 : f32 to vector<512x1024xf32>
    %select_n3A_71 = arith.select %eq3A_62, %broadcast_in_dim3A_70, %select_n3A_57 : vector<512x1024xi1>, vector<512x1024xf32>
    %reduce_max3A_72 = arith.constant dense<0xFF800000> : vector<512xf32>
    %reduce_max3A_73 = vector.multi_reduction <maximumf>, %select_n3A_71, %reduce_max3A_72 [1] : vector<512x1024xf32> to vector<512xf32>
    %broadcast_in_dim3A_74 = vector.shape_cast %reduce_max3A_73 : vector<512xf32> to vector<512x1xf32>
    %eq3A_75 = vector.broadcast %broadcast_in_dim3A_74 : vector<512x1xf32> to vector<512x1024xf32>
    %eq3A_76 = arith.cmpf oeq, %select_n3A_71, %eq3A_75 : vector<512x1024xf32>
    %jit3A_77 = arith.constant -1 : i32
    %broadcast_in_dim3A_78 = vector.broadcast %jit3A_77 : i32 to vector<512x1024xi32>
    %select_n3A_79 = arith.select %eq3A_76, %iota3A, %broadcast_in_dim3A_78 : vector<512x1024xi1>, vector<512x1024xi32>
    %reduce_max3A_80 = arith.constant dense<-2147483648> : vector<512xi32>
    %reduce_max3A_81 = vector.multi_reduction <maxsi>, %select_n3A_79, %reduce_max3A_80 [1] : vector<512x1024xi32> to vector<512xi32>
    %broadcast_in_dim3A_82 = vector.shape_cast %reduce_max3A_81 : vector<512xi32> to vector<512x1xi32>
    %jit3A_83 = arith.constant 0xFF800000 : f32
    %broadcast_in_dim3A_84 = vector.broadcast %jit3A_83 : f32 to vector<512x1024xf32>
    %select_n3A_85 = arith.select %eq3A_76, %broadcast_in_dim3A_84, %select_n3A_71 : vector<512x1024xi1>, vector<512x1024xf32>
    %reduce_max3A_86 = arith.constant dense<0xFF800000> : vector<512xf32>
    %reduce_max3A_87 = vector.multi_reduction <maximumf>, %select_n3A_85, %reduce_max3A_86 [1] : vector<512x1024xf32> to vector<512xf32>
    %broadcast_in_dim3A_88 = vector.shape_cast %reduce_max3A_87 : vector<512xf32> to vector<512x1xf32>
    %eq3A_89 = vector.broadcast %broadcast_in_dim3A_88 : vector<512x1xf32> to vector<512x1024xf32>
    %eq3A_90 = arith.cmpf oeq, %select_n3A_85, %eq3A_89 : vector<512x1024xf32>
    %jit3A_91 = arith.constant -1 : i32
    %broadcast_in_dim3A_92 = vector.broadcast %jit3A_91 : i32 to vector<512x1024xi32>
    %select_n3A_93 = arith.select %eq3A_90, %iota3A, %broadcast_in_dim3A_92 : vector<512x1024xi1>, vector<512x1024xi32>
    %reduce_max3A_94 = arith.constant dense<-2147483648> : vector<512xi32>
    %reduce_max3A_95 = vector.multi_reduction <maxsi>, %select_n3A_93, %reduce_max3A_94 [1] : vector<512x1024xi32> to vector<512xi32>
    %broadcast_in_dim3A_96 = vector.shape_cast %reduce_max3A_95 : vector<512xi32> to vector<512x1xi32>
    %jit3A_97 = arith.constant 0xFF800000 : f32
    %broadcast_in_dim3A_98 = vector.broadcast %jit3A_97 : f32 to vector<512x1024xf32>
    %select_n3A_99 = arith.select %eq3A_90, %broadcast_in_dim3A_98, %select_n3A_85 : vector<512x1024xi1>, vector<512x1024xf32>
    %reduce_max3A_100 = arith.constant dense<0xFF800000> : vector<512xf32>
    %reduce_max3A_101 = vector.multi_reduction <maximumf>, %select_n3A_99, %reduce_max3A_100 [1] : vector<512x1024xf32> to vector<512xf32>
    %broadcast_in_dim3A_102 = vector.shape_cast %reduce_max3A_101 : vector<512xf32> to vector<512x1xf32>
    %eq3A_103 = vector.broadcast %broadcast_in_dim3A_102 : vector<512x1xf32> to vector<512x1024xf32>
    %eq3A_104 = arith.cmpf oeq, %select_n3A_99, %eq3A_103 : vector<512x1024xf32>
    %jit3A_105 = arith.constant -1 : i32
    %broadcast_in_dim3A_106 = vector.broadcast %jit3A_105 : i32 to vector<512x1024xi32>
    %select_n3A_107 = arith.select %eq3A_104, %iota3A, %broadcast_in_dim3A_106 : vector<512x1024xi1>, vector<512x1024xi32>
    %reduce_max3A_108 = arith.constant dense<-2147483648> : vector<512xi32>
    %reduce_max3A_109 = vector.multi_reduction <maxsi>, %select_n3A_107, %reduce_max3A_108 [1] : vector<512x1024xi32> to vector<512xi32>
    %broadcast_in_dim3A_110 = vector.shape_cast %reduce_max3A_109 : vector<512xi32> to vector<512x1xi32>
    %jit3A_111 = arith.constant 0xFF800000 : f32
    %broadcast_in_dim3A_112 = vector.broadcast %jit3A_111 : f32 to vector<512x1024xf32>
    %select_n3A_113 = arith.select %eq3A_104, %broadcast_in_dim3A_112, %select_n3A_99 : vector<512x1024xi1>, vector<512x1024xf32>
    %reduce_max3A_114 = arith.constant dense<0xFF800000> : vector<512xf32>
    %reduce_max3A_115 = vector.multi_reduction <maximumf>, %select_n3A_113, %reduce_max3A_114 [1] : vector<512x1024xf32> to vector<512xf32>
    %broadcast_in_dim3A_116 = vector.shape_cast %reduce_max3A_115 : vector<512xf32> to vector<512x1xf32>
    %eq3A_117 = vector.broadcast %broadcast_in_dim3A_116 : vector<512x1xf32> to vector<512x1024xf32>
    %eq3A_118 = arith.cmpf oeq, %select_n3A_113, %eq3A_117 : vector<512x1024xf32>
    %jit3A_119 = arith.constant -1 : i32
    %broadcast_in_dim3A_120 = vector.broadcast %jit3A_119 : i32 to vector<512x1024xi32>
    %select_n3A_121 = arith.select %eq3A_118, %iota3A, %broadcast_in_dim3A_120 : vector<512x1024xi1>, vector<512x1024xi32>
    %reduce_max3A_122 = arith.constant dense<-2147483648> : vector<512xi32>
    %reduce_max3A_123 = vector.multi_reduction <maxsi>, %select_n3A_121, %reduce_max3A_122 [1] : vector<512x1024xi32> to vector<512xi32>
    %broadcast_in_dim3A_124 = vector.shape_cast %reduce_max3A_123 : vector<512xi32> to vector<512x1xi32>
    %jit3A_125 = arith.constant 0xFF800000 : f32
    %broadcast_in_dim3A_126 = vector.broadcast %jit3A_125 : f32 to vector<512x1024xf32>
    %select_n3A_127 = arith.select %eq3A_118, %broadcast_in_dim3A_126, %select_n3A_113 : vector<512x1024xi1>, vector<512x1024xf32>
    %eq3A_128 = arith.constant 0xFF800000 : f32
    %eq3A_129 = vector.broadcast %eq3A_128 : f32 to vector<512x1024xf32>
    %eq3A_130 = arith.cmpf oeq, %select_n3A_127, %eq3A_129 : vector<512x1024xf32>
    %sub3A = vector.broadcast %broadcast_in_dim3A : vector<512x1xf32> to vector<512x1024xf32>
    %sub3A_131 = arith.subf %add3A_18, %sub3A : vector<512x1024xf32>
    %exp3A = math.exp %sub3A_131 : vector<512x1024xf32>
    %jit3A_132 = arith.constant 0.000000e+00 : f32
    %broadcast_in_dim3A_133 = vector.broadcast %jit3A_132 : f32 to vector<512x1024xf32>
    %select_n3A_134 = arith.select %eq3A_130, %exp3A, %broadcast_in_dim3A_133 : vector<512x1024xi1>, vector<512x1024xf32>
    %reduce_sum3A = arith.constant dense<0.000000e+00> : vector<512xf32>
    %reduce_sum3A_135 = vector.multi_reduction <add>, %select_n3A_134, %reduce_sum3A [1] : vector<512x1024xf32> to vector<512xf32>
    %broadcast_in_dim3A_136 = vector.shape_cast %reduce_sum3A_135 : vector<512xf32> to vector<512x1xf32>
    %div3A = vector.broadcast %broadcast_in_dim3A_136 : vector<512x1xf32> to vector<512x1024xf32>
    %div3A_137 = arith.divf %select_n3A_134, %div3A : vector<512x1024xf32>
    %get3A_138 = arith.constant 0 : index
    %get3A_139 = arith.constant 0 : index
    %get3A_140 = vector.load %arg6[%get3A_138, %get3A_139] : memref<1024x128xf32, #tpu.memory_space<vmem>>, vector<1024x128xf32>
    %dot_general3A_141 = arith.constant dense<0.000000e+00> : vector<512x128xf32>
    %dot_general3A_142 = tpu.matmul %div3A_137, %get3A_140, %dot_general3A_141 {dimension_numbers = #tpu.dot_dimension_numbers<[1], [0], [0], [1], [0, 0, 1, 1], [], []>, transpose_lhs_hint = false} : vector<512x1024xf32>, vector<1024x128xf32>, vector<512x128xf32> -> vector<512x128xf32>
    %swap3A_143 = arith.constant 0 : index
    %swap3A_144 = arith.constant 0 : index
    %swap3A_145 = arith.constant 0 : index
    %swap3A_146 = vector.load %arg9[%swap3A_143, %swap3A_144, %swap3A_145] : memref<1x512x128xf32, #tpu.memory_space<vmem>>, vector<1x512x128xf32>
    %swap3A_147 = vector.shape_cast %swap3A_146 : vector<1x512x128xf32> to vector<512x128xf32>
    %swap3A_148 = vector.shape_cast %dot_general3A_142 : vector<512x128xf32> to vector<1x512x128xf32>
    tpu.vector_store %arg9[%swap3A_143, %swap3A_144, %swap3A_145], %swap3A_148 {strides = array<i32>} : memref<1x512x128xf32, #tpu.memory_space<vmem>>, vector<1x512x128xf32>,
    %concatenate3A = tpu.concatenate %broadcast_in_dim3A_26, %broadcast_in_dim3A_40, %broadcast_in_dim3A_54, %broadcast_in_dim3A_68, %broadcast_in_dim3A_82, %broadcast_in_dim3A_96, %broadcast_in_dim3A_110, %broadcast_in_dim3A_124 in 1 : vector<512x1xi32>, vector<512x1xi32>, vector<512x1xi32>, vector<512x1xi32>, vector<512x1xi32>, vector<512x1xi32>, vector<512x1xi32>, vector<512x1xi32> -> vector<512x8xi32>
    %swap3A_149 = arith.constant 0 : index
    %swap3A_150 = arith.constant 0 : index
    %swap3A_151 = vector.load %arg7[%swap3A_149, %swap3A_150] : memref<512x8xi32, #tpu.memory_space<vmem>>, vector<512x8xi32>
    tpu.vector_store %arg7[%swap3A_149, %swap3A_150], %concatenate3A {strides = array<i32>} : memref<512x8xi32, #tpu.memory_space<vmem>>, vector<512x8xi32>,
    %sub3A_152 = arith.subf %broadcast_in_dim3A, %broadcast_in_dim3A : vector<512x1xf32>
    %exp3A_153 = math.exp %sub3A_152 : vector<512x1xf32>
    %div3A_154 = arith.divf %exp3A_153, %broadcast_in_dim3A_136 : vector<512x1xf32>
    %sub3A_155 = arith.subf %broadcast_in_dim3A_32, %broadcast_in_dim3A : vector<512x1xf32>
    %exp3A_156 = math.exp %sub3A_155 : vector<512x1xf32>
    %div3A_157 = arith.divf %exp3A_156, %broadcast_in_dim3A_136 : vector<512x1xf32>
    %sub3A_158 = arith.subf %broadcast_in_dim3A_46, %broadcast_in_dim3A : vector<512x1xf32>
    %exp3A_159 = math.exp %sub3A_158 : vector<512x1xf32>
    %div3A_160 = arith.divf %exp3A_159, %broadcast_in_dim3A_136 : vector<512x1xf32>
    %sub3A_161 = arith.subf %broadcast_in_dim3A_60, %broadcast_in_dim3A : vector<512x1xf32>
    %exp3A_162 = math.exp %sub3A_161 : vector<512x1xf32>
    %div3A_163 = arith.divf %exp3A_162, %broadcast_in_dim3A_136 : vector<512x1xf32>
    %sub3A_164 = arith.subf %broadcast_in_dim3A_74, %broadcast_in_dim3A : vector<512x1xf32>
    %exp3A_165 = math.exp %sub3A_164 : vector<512x1xf32>
    %div3A_166 = arith.divf %exp3A_165, %broadcast_in_dim3A_136 : vector<512x1xf32>
    %sub3A_167 = arith.subf %broadcast_in_dim3A_88, %broadcast_in_dim3A : vector<512x1xf32>
    %exp3A_168 = math.exp %sub3A_167 : vector<512x1xf32>
    %div3A_169 = arith.divf %exp3A_168, %broadcast_in_dim3A_136 : vector<512x1xf32>
    %sub3A_170 = arith.subf %broadcast_in_dim3A_102, %broadcast_in_dim3A : vector<512x1xf32>
    %exp3A_171 = math.exp %sub3A_170 : vector<512x1xf32>
    %div3A_172 = arith.divf %exp3A_171, %broadcast_in_dim3A_136 : vector<512x1xf32>
    %sub3A_173 = arith.subf %broadcast_in_dim3A_116, %broadcast_in_dim3A : vector<512x1xf32>
    %exp3A_174 = math.exp %sub3A_173 : vector<512x1xf32>
    %div3A_175 = arith.divf %exp3A_174, %broadcast_in_dim3A_136 : vector<512x1xf32>
    %concatenate3A_176 = tpu.concatenate %div3A_154, %div3A_157, %div3A_160, %div3A_163, %div3A_166, %div3A_169, %div3A_172, %div3A_175 in 1 : vector<512x1xf32>, vector<512x1xf32>, vector<512x1xf32>, vector<512x1xf32>, vector<512x1xf32>, vector<512x1xf32>, vector<512x1xf32>, vector<512x1xf32> -> vector<512x8xf32>
    %swap3A_177 = arith.constant 0 : index
    %swap3A_178 = arith.constant 0 : index
    %swap3A_179 = vector.load %arg8[%swap3A_177, %swap3A_178] : memref<512x8xf32, #tpu.memory_space<vmem>>, vector<512x8xf32>
    tpu.vector_store %arg8[%swap3A_177, %swap3A_178], %concatenate3A_176 {strides = array<i32>} : memref<512x8xf32, #tpu.memory_space<vmem>>, vector<512x8xf32>,
    %convert_element_type3A = arith.extui %eq3A_130 : vector<512x1024xi1> to vector<512x1024xi32>
    %convert_element_type3A_180 = arith.sitofp %convert_element_type3A : vector<512x1024xi32> to vector<512x1024xf32>
    %reduce_sum3A_181 = vector.shape_cast %convert_element_type3A_180 : vector<512x1024xf32> to vector<1x512x1024xf32>
    %reduce_sum3A_182 = arith.constant dense<0.000000e+00> : vector<1xf32>
    %reduce_sum3A_183 = vector.multi_reduction <add>, %reduce_sum3A_181, %reduce_sum3A_182 [1, 2] : vector<1x512x1024xf32> to vector<1xf32>
    %reduce_sum3A_184 = vector.shape_cast %reduce_sum3A_183 : vector<1xf32> to vector<1x1x1xf32>
    %reduce_sum3A_185 = vector.extract %reduce_sum3A_184[0, 0, 0] : f32 from vector<1x1x1xf32>
    %ne3A = arith.constant 4.096000e+03 : f32
    %ne3A_186 = arith.cmpf one, %reduce_sum3A_185, %ne3A : f32
    %convert_element_type3A_187 = arith.extui %ne3A_186 : i1 to i32
    %cond3A = arith.constant 0xFF800000 : f32
    %cond3A_188 = arith.constant 0 : i32
    %cond3A_189 = arith.cmpi ne, %convert_element_type3A_187, %cond3A_188 : i32
    scf.if %cond3A_189 {
      %get3A_190 = arith.constant 0 : index
      %get3A_191 = arith.constant 0 : index
      %get3A_192 = vector.load %arg10[%get3A_190, %get3A_191] : memref<512x1024xf32, #tpu.memory_space<vmem>>, vector<512x1024xf32>
      %reduce_max3A_193 = arith.constant dense<0xFF800000> : vector<512xf32>
      %reduce_max3A_194 = vector.multi_reduction <maximumf>, %get3A_192, %reduce_max3A_193 [1] : vector<512x1024xf32> to vector<512xf32>
      %broadcast_in_dim3A_195 = vector.shape_cast %reduce_max3A_194 : vector<512xf32> to vector<512x1xf32>
      %eq3A_196 = vector.broadcast %broadcast_in_dim3A_195 : vector<512x1xf32> to vector<512x1024xf32>
      %eq3A_197 = arith.cmpf oeq, %get3A_192, %eq3A_196 : vector<512x1024xf32>
      %jit3A_198 = arith.constant 1024 : i32
      %broadcast_in_dim3A_199 = vector.broadcast %jit3A_198 : i32 to vector<512x1024xi32>
      %select_n3A_200 = arith.select %eq3A_197, %iota3A, %broadcast_in_dim3A_199 : vector<512x1024xi1>, vector<512x1024xi32>
      %reduce_min3A = arith.constant dense<2147483647> : vector<512xi32>
      %reduce_min3A_201 = vector.multi_reduction <minsi>, %select_n3A_200, %reduce_min3A [1] : vector<512x1024xi32> to vector<512xi32>
      %broadcast_in_dim3A_202 = vector.shape_cast %reduce_min3A_201 : vector<512xi32> to vector<512x1xi32>
      %eq3A_203 = vector.broadcast %broadcast_in_dim3A_202 : vector<512x1xi32> to vector<512x1024xi32>
      %eq3A_204 = arith.cmpi eq, %iota3A, %eq3A_203 : vector<512x1024xi32>
      %broadcast_in_dim3A_205 = vector.broadcast %cond3A : f32 to vector<512x1024xf32>
      %select_n3A_206 = arith.select %eq3A_204, %broadcast_in_dim3A_205, %get3A_192 : vector<512x1024xi1>, vector<512x1024xf32>
      %reduce_max3A_207 = arith.constant dense<0xFF800000> : vector<512xf32>
      %reduce_max3A_208 = vector.multi_reduction <maximumf>, %select_n3A_206, %reduce_max3A_207 [1] : vector<512x1024xf32> to vector<512xf32>
      %broadcast_in_dim3A_209 = vector.shape_cast %reduce_max3A_208 : vector<512xf32> to vector<512x1xf32>
      %eq3A_210 = vector.broadcast %broadcast_in_dim3A_209 : vector<512x1xf32> to vector<512x1024xf32>
      %eq3A_211 = arith.cmpf oeq, %select_n3A_206, %eq3A_210 : vector<512x1024xf32>
      %jit3A_212 = arith.constant 1024 : i32
      %broadcast_in_dim3A_213 = vector.broadcast %jit3A_212 : i32 to vector<512x1024xi32>
      %select_n3A_214 = arith.select %eq3A_211, %iota3A, %broadcast_in_dim3A_213 : vector<512x1024xi1>, vector<512x1024xi32>
      %reduce_min3A_215 = arith.constant dense<2147483647> : vector<512xi32>
      %reduce_min3A_216 = vector.multi_reduction <minsi>, %select_n3A_214, %reduce_min3A_215 [1] : vector<512x1024xi32> to vector<512xi32>
      %broadcast_in_dim3A_217 = vector.shape_cast %reduce_min3A_216 : vector<512xi32> to vector<512x1xi32>
      %eq3A_218 = vector.broadcast %broadcast_in_dim3A_217 : vector<512x1xi32> to vector<512x1024xi32>
      %eq3A_219 = arith.cmpi eq, %iota3A, %eq3A_218 : vector<512x1024xi32>
      %broadcast_in_dim3A_220 = vector.broadcast %cond3A : f32 to vector<512x1024xf32>
      %select_n3A_221 = arith.select %eq3A_219, %broadcast_in_dim3A_220, %select_n3A_206 : vector<512x1024xi1>, vector<512x1024xf32>
      %reduce_max3A_222 = arith.constant dense<0xFF800000> : vector<512xf32>
      %reduce_max3A_223 = vector.multi_reduction <maximumf>, %select_n3A_221, %reduce_max3A_222 [1] : vector<512x1024xf32> to vector<512xf32>
      %broadcast_in_dim3A_224 = vector.shape_cast %reduce_max3A_223 : vector<512xf32> to vector<512x1xf32>
      %eq3A_225 = vector.broadcast %broadcast_in_dim3A_224 : vector<512x1xf32> to vector<512x1024xf32>
      %eq3A_226 = arith.cmpf oeq, %select_n3A_221, %eq3A_225 : vector<512x1024xf32>
      %jit3A_227 = arith.constant 1024 : i32
      %broadcast_in_dim3A_228 = vector.broadcast %jit3A_227 : i32 to vector<512x1024xi32>
      %select_n3A_229 = arith.select %eq3A_226, %iota3A, %broadcast_in_dim3A_228 : vector<512x1024xi1>, vector<512x1024xi32>
      %reduce_min3A_230 = arith.constant dense<2147483647> : vector<512xi32>
      %reduce_min3A_231 = vector.multi_reduction <minsi>, %select_n3A_229, %reduce_min3A_230 [1] : vector<512x1024xi32> to vector<512xi32>
      %broadcast_in_dim3A_232 = vector.shape_cast %reduce_min3A_231 : vector<512xi32> to vector<512x1xi32>
      %eq3A_233 = vector.broadcast %broadcast_in_dim3A_232 : vector<512x1xi32> to vector<512x1024xi32>
      %eq3A_234 = arith.cmpi eq, %iota3A, %eq3A_233 : vector<512x1024xi32>
      %broadcast_in_dim3A_235 = vector.broadcast %cond3A : f32 to vector<512x1024xf32>
      %select_n3A_236 = arith.select %eq3A_234, %broadcast_in_dim3A_235, %select_n3A_221 : vector<512x1024xi1>, vector<512x1024xf32>
      %reduce_max3A_237 = arith.constant dense<0xFF800000> : vector<512xf32>
      %reduce_max3A_238 = vector.multi_reduction <maximumf>, %select_n3A_236, %reduce_max3A_237 [1] : vector<512x1024xf32> to vector<512xf32>
      %broadcast_in_dim3A_239 = vector.shape_cast %reduce_max3A_238 : vector<512xf32> to vector<512x1xf32>
      %eq3A_240 = vector.broadcast %broadcast_in_dim3A_239 : vector<512x1xf32> to vector<512x1024xf32>
      %eq3A_241 = arith.cmpf oeq, %select_n3A_236, %eq3A_240 : vector<512x1024xf32>
      %jit3A_242 = arith.constant 1024 : i32
      %broadcast_in_dim3A_243 = vector.broadcast %jit3A_242 : i32 to vector<512x1024xi32>
      %select_n3A_244 = arith.select %eq3A_241, %iota3A, %broadcast_in_dim3A_243 : vector<512x1024xi1>, vector<512x1024xi32>
      %reduce_min3A_245 = arith.constant dense<2147483647> : vector<512xi32>
      %reduce_min3A_246 = vector.multi_reduction <minsi>, %select_n3A_244, %reduce_min3A_245 [1] : vector<512x1024xi32> to vector<512xi32>
      %broadcast_in_dim3A_247 = vector.shape_cast %reduce_min3A_246 : vector<512xi32> to vector<512x1xi32>
      %eq3A_248 = vector.broadcast %broadcast_in_dim3A_247 : vector<512x1xi32> to vector<512x1024xi32>
      %eq3A_249 = arith.cmpi eq, %iota3A, %eq3A_248 : vector<512x1024xi32>
      %broadcast_in_dim3A_250 = vector.broadcast %cond3A : f32 to vector<512x1024xf32>
      %select_n3A_251 = arith.select %eq3A_249, %broadcast_in_dim3A_250, %select_n3A_236 : vector<512x1024xi1>, vector<512x1024xf32>
      %reduce_max3A_252 = arith.constant dense<0xFF800000> : vector<512xf32>
      %reduce_max3A_253 = vector.multi_reduction <maximumf>, %select_n3A_251, %reduce_max3A_252 [1] : vector<512x1024xf32> to vector<512xf32>
      %broadcast_in_dim3A_254 = vector.shape_cast %reduce_max3A_253 : vector<512xf32> to vector<512x1xf32>
      %eq3A_255 = vector.broadcast %broadcast_in_dim3A_254 : vector<512x1xf32> to vector<512x1024xf32>
      %eq3A_256 = arith.cmpf oeq, %select_n3A_251, %eq3A_255 : vector<512x1024xf32>
      %jit3A_257 = arith.constant 1024 : i32
      %broadcast_in_dim3A_258 = vector.broadcast %jit3A_257 : i32 to vector<512x1024xi32>
      %select_n3A_259 = arith.select %eq3A_256, %iota3A, %broadcast_in_dim3A_258 : vector<512x1024xi1>, vector<512x1024xi32>
      %reduce_min3A_260 = arith.constant dense<2147483647> : vector<512xi32>
      %reduce_min3A_261 = vector.multi_reduction <minsi>, %select_n3A_259, %reduce_min3A_260 [1] : vector<512x1024xi32> to vector<512xi32>
      %broadcast_in_dim3A_262 = vector.shape_cast %reduce_min3A_261 : vector<512xi32> to vector<512x1xi32>
      %eq3A_263 = vector.broadcast %broadcast_in_dim3A_262 : vector<512x1xi32> to vector<512x1024xi32>
      %eq3A_264 = arith.cmpi eq, %iota3A, %eq3A_263 : vector<512x1024xi32>
      %broadcast_in_dim3A_265 = vector.broadcast %cond3A : f32 to vector<512x1024xf32>
      %select_n3A_266 = arith.select %eq3A_264, %broadcast_in_dim3A_265, %select_n3A_251 : vector<512x1024xi1>, vector<512x1024xf32>
      %reduce_max3A_267 = arith.constant dense<0xFF800000> : vector<512xf32>
      %reduce_max3A_268 = vector.multi_reduction <maximumf>, %select_n3A_266, %reduce_max3A_267 [1] : vector<512x1024xf32> to vector<512xf32>
      %broadcast_in_dim3A_269 = vector.shape_cast %reduce_max3A_268 : vector<512xf32> to vector<512x1xf32>
      %eq3A_270 = vector.broadcast %broadcast_in_dim3A_269 : vector<512x1xf32> to vector<512x1024xf32>
      %eq3A_271 = arith.cmpf oeq, %select_n3A_266, %eq3A_270 : vector<512x1024xf32>
      %jit3A_272 = arith.constant 1024 : i32
      %broadcast_in_dim3A_273 = vector.broadcast %jit3A_272 : i32 to vector<512x1024xi32>
      %select_n3A_274 = arith.select %eq3A_271, %iota3A, %broadcast_in_dim3A_273 : vector<512x1024xi1>, vector<512x1024xi32>
      %reduce_min3A_275 = arith.constant dense<2147483647> : vector<512xi32>
      %reduce_min3A_276 = vector.multi_reduction <minsi>, %select_n3A_274, %reduce_min3A_275 [1] : vector<512x1024xi32> to vector<512xi32>
      %broadcast_in_dim3A_277 = vector.shape_cast %reduce_min3A_276 : vector<512xi32> to vector<512x1xi32>
      %eq3A_278 = vector.broadcast %broadcast_in_dim3A_277 : vector<512x1xi32> to vector<512x1024xi32>
      %eq3A_279 = arith.cmpi eq, %iota3A, %eq3A_278 : vector<512x1024xi32>
      %broadcast_in_dim3A_280 = vector.broadcast %cond3A : f32 to vector<512x1024xf32>
      %select_n3A_281 = arith.select %eq3A_279, %broadcast_in_dim3A_280, %select_n3A_266 : vector<512x1024xi1>, vector<512x1024xf32>
      %reduce_max3A_282 = arith.constant dense<0xFF800000> : vector<512xf32>
      %reduce_max3A_283 = vector.multi_reduction <maximumf>, %select_n3A_281, %reduce_max3A_282 [1] : vector<512x1024xf32> to vector<512xf32>
      %broadcast_in_dim3A_284 = vector.shape_cast %reduce_max3A_283 : vector<512xf32> to vector<512x1xf32>
      %eq3A_285 = vector.broadcast %broadcast_in_dim3A_284 : vector<512x1xf32> to vector<512x1024xf32>
      %eq3A_286 = arith.cmpf oeq, %select_n3A_281, %eq3A_285 : vector<512x1024xf32>
      %jit3A_287 = arith.constant 1024 : i32
      %broadcast_in_dim3A_288 = vector.broadcast %jit3A_287 : i32 to vector<512x1024xi32>
      %select_n3A_289 = arith.select %eq3A_286, %iota3A, %broadcast_in_dim3A_288 : vector<512x1024xi1>, vector<512x1024xi32>
      %reduce_min3A_290 = arith.constant dense<2147483647> : vector<512xi32>
      %reduce_min3A_291 = vector.multi_reduction <minsi>, %select_n3A_289, %reduce_min3A_290 [1] : vector<512x1024xi32> to vector<512xi32>
      %broadcast_in_dim3A_292 = vector.shape_cast %reduce_min3A_291 : vector<512xi32> to vector<512x1xi32>
      %eq3A_293 = vector.broadcast %broadcast_in_dim3A_292 : vector<512x1xi32> to vector<512x1024xi32>
      %eq3A_294 = arith.cmpi eq, %iota3A, %eq3A_293 : vector<512x1024xi32>
      %broadcast_in_dim3A_295 = vector.broadcast %cond3A : f32 to vector<512x1024xf32>
      %select_n3A_296 = arith.select %eq3A_294, %broadcast_in_dim3A_295, %select_n3A_281 : vector<512x1024xi1>, vector<512x1024xf32>
      %reduce_max3A_297 = arith.constant dense<0xFF800000> : vector<512xf32>
      %reduce_max3A_298 = vector.multi_reduction <maximumf>, %select_n3A_296, %reduce_max3A_297 [1] : vector<512x1024xf32> to vector<512xf32>
      %broadcast_in_dim3A_299 = vector.shape_cast %reduce_max3A_298 : vector<512xf32> to vector<512x1xf32>
      %eq3A_300 = vector.broadcast %broadcast_in_dim3A_299 : vector<512x1xf32> to vector<512x1024xf32>
      %eq3A_301 = arith.cmpf oeq, %select_n3A_296, %eq3A_300 : vector<512x1024xf32>
      %jit3A_302 = arith.constant 1024 : i32
      %broadcast_in_dim3A_303 = vector.broadcast %jit3A_302 : i32 to vector<512x1024xi32>
      %select_n3A_304 = arith.select %eq3A_301, %iota3A, %broadcast_in_dim3A_303 : vector<512x1024xi1>, vector<512x1024xi32>
      %reduce_min3A_305 = arith.constant dense<2147483647> : vector<512xi32>
      %reduce_min3A_306 = vector.multi_reduction <minsi>, %select_n3A_304, %reduce_min3A_305 [1] : vector<512x1024xi32> to vector<512xi32>
      %broadcast_in_dim3A_307 = vector.shape_cast %reduce_min3A_306 : vector<512xi32> to vector<512x1xi32>
      %eq3A_308 = vector.broadcast %broadcast_in_dim3A_307 : vector<512x1xi32> to vector<512x1024xi32>
      %eq3A_309 = arith.cmpi eq, %iota3A, %eq3A_308 : vector<512x1024xi32>
      %broadcast_in_dim3A_310 = vector.broadcast %cond3A : f32 to vector<512x1024xf32>
      %select_n3A_311 = arith.select %eq3A_309, %broadcast_in_dim3A_310, %select_n3A_296 : vector<512x1024xi1>, vector<512x1024xf32>
      %eq3A_312 = vector.broadcast %cond3A : f32 to vector<512x1024xf32>
      %eq3A_313 = arith.cmpf oeq, %select_n3A_311, %eq3A_312 : vector<512x1024xf32>
      %sub3A_314 = vector.broadcast %broadcast_in_dim3A_195 : vector<512x1xf32> to vector<512x1024xf32>
      %sub3A_315 = arith.subf %get3A_192, %sub3A_314 : vector<512x1024xf32>
      %exp3A_316 = math.exp %sub3A_315 : vector<512x1024xf32>
      %jit3A_317 = arith.constant 0.000000e+00 : f32
      %broadcast_in_dim3A_318 = vector.broadcast %jit3A_317 : f32 to vector<512x1024xf32>
      %select_n3A_319 = arith.select %eq3A_313, %exp3A_316, %broadcast_in_dim3A_318 : vector<512x1024xi1>, vector<512x1024xf32>
      %reduce_sum3A_320 = arith.constant dense<0.000000e+00> : vector<512xf32>
      %reduce_sum3A_321 = vector.multi_reduction <add>, %select_n3A_319, %reduce_sum3A_320 [1] : vector<512x1024xf32> to vector<512xf32>
      %broadcast_in_dim3A_322 = vector.shape_cast %reduce_sum3A_321 : vector<512xf32> to vector<512x1xf32>
      %div3A_323 = vector.broadcast %broadcast_in_dim3A_322 : vector<512x1xf32> to vector<512x1024xf32>
      %div3A_324 = arith.divf %select_n3A_319, %div3A_323 : vector<512x1024xf32>
      %get3A_325 = arith.constant 0 : index
      %get3A_326 = arith.constant 0 : index
      %get3A_327 = vector.load %arg6[%get3A_325, %get3A_326] : memref<1024x128xf32, #tpu.memory_space<vmem>>, vector<1024x128xf32>
      %dot_general3A_328 = arith.constant dense<0.000000e+00> : vector<512x128xf32>
      %dot_general3A_329 = tpu.matmul %div3A_324, %get3A_327, %dot_general3A_328 {dimension_numbers = #tpu.dot_dimension_numbers<[1], [0], [0], [1], [0, 0, 1, 1], [], []>, transpose_lhs_hint = false} : vector<512x1024xf32>, vector<1024x128xf32>, vector<512x128xf32> -> vector<512x128xf32>
      %swap3A_330 = arith.constant 0 : index
      %swap3A_331 = arith.constant 0 : index
      %swap3A_332 = arith.constant 0 : index
      %swap3A_333 = vector.load %arg9[%swap3A_330, %swap3A_331, %swap3A_332] : memref<1x512x128xf32, #tpu.memory_space<vmem>>, vector<1x512x128xf32>
      %swap3A_334 = vector.shape_cast %swap3A_333 : vector<1x512x128xf32> to vector<512x128xf32>
      %swap3A_335 = vector.shape_cast %dot_general3A_329 : vector<512x128xf32> to vector<1x512x128xf32>
      tpu.vector_store %arg9[%swap3A_330, %swap3A_331, %swap3A_332], %swap3A_335 {strides = array<i32>} : memref<1x512x128xf32, #tpu.memory_space<vmem>>, vector<1x512x128xf32>,
      %concatenate3A_336 = tpu.concatenate %broadcast_in_dim3A_202, %broadcast_in_dim3A_217, %broadcast_in_dim3A_232, %broadcast_in_dim3A_247, %broadcast_in_dim3A_262, %broadcast_in_dim3A_277, %broadcast_in_dim3A_292, %broadcast_in_dim3A_307 in 1 : vector<512x1xi32>, vector<512x1xi32>, vector<512x1xi32>, vector<512x1xi32>, vector<512x1xi32>, vector<512x1xi32>, vector<512x1xi32>, vector<512x1xi32> -> vector<512x8xi32>
      %swap3A_337 = arith.constant 0 : index
      %swap3A_338 = arith.constant 0 : index
      %swap3A_339 = vector.load %arg7[%swap3A_337, %swap3A_338] : memref<512x8xi32, #tpu.memory_space<vmem>>, vector<512x8xi32>
      tpu.vector_store %arg7[%swap3A_337, %swap3A_338], %concatenate3A_336 {strides = array<i32>} : memref<512x8xi32, #tpu.memory_space<vmem>>, vector<512x8xi32>,
      %sub3A_340 = arith.subf %broadcast_in_dim3A_195, %broadcast_in_dim3A_195 : vector<512x1xf32>
      %exp3A_341 = math.exp %sub3A_340 : vector<512x1xf32>
      %div3A_342 = arith.divf %exp3A_341, %broadcast_in_dim3A_322 : vector<512x1xf32>
      %sub3A_343 = arith.subf %broadcast_in_dim3A_209, %broadcast_in_dim3A_195 : vector<512x1xf32>
      %exp3A_344 = math.exp %sub3A_343 : vector<512x1xf32>
      %div3A_345 = arith.divf %exp3A_344, %broadcast_in_dim3A_322 : vector<512x1xf32>
      %sub3A_346 = arith.subf %broadcast_in_dim3A_224, %broadcast_in_dim3A_195 : vector<512x1xf32>
      %exp3A_347 = math.exp %sub3A_346 : vector<512x1xf32>
      %div3A_348 = arith.divf %exp3A_347, %broadcast_in_dim3A_322 : vector<512x1xf32>
      %sub3A_349 = arith.subf %broadcast_in_dim3A_239, %broadcast_in_dim3A_195 : vector<512x1xf32>
      %exp3A_350 = math.exp %sub3A_349 : vector<512x1xf32>
      %div3A_351 = arith.divf %exp3A_350, %broadcast_in_dim3A_322 : vector<512x1xf32>
      %sub3A_352 = arith.subf %broadcast_in_dim3A_254, %broadcast_in_dim3A_195 : vector<512x1xf32>
      %exp3A_353 = math.exp %sub3A_352 : vector<512x1xf32>
      %div3A_354 = arith.divf %exp3A_353, %broadcast_in_dim3A_322 : vector<512x1xf32>
      %sub3A_355 = arith.subf %broadcast_in_dim3A_269, %broadcast_in_dim3A_195 : vector<512x1xf32>
      %exp3A_356 = math.exp %sub3A_355 : vector<512x1xf32>
      %div3A_357 = arith.divf %exp3A_356, %broadcast_in_dim3A_322 : vector<512x1xf32>
      %sub3A_358 = arith.subf %broadcast_in_dim3A_284, %broadcast_in_dim3A_195 : vector<512x1xf32>
      %exp3A_359 = math.exp %sub3A_358 : vector<512x1xf32>
      %div3A_360 = arith.divf %exp3A_359, %broadcast_in_dim3A_322 : vector<512x1xf32>
      %sub3A_361 = arith.subf %broadcast_in_dim3A_299, %broadcast_in_dim3A_195 : vector<512x1xf32>
      %exp3A_362 = math.exp %sub3A_361 : vector<512x1xf32>
      %div3A_363 = arith.divf %exp3A_362, %broadcast_in_dim3A_322 : vector<512x1xf32>
      %concatenate3A_364 = tpu.concatenate %div3A_342, %div3A_345, %div3A_348, %div3A_351, %div3A_354, %div3A_357, %div3A_360, %div3A_363 in 1 : vector<512x1xf32>, vector<512x1xf32>, vector<512x1xf32>, vector<512x1xf32>, vector<512x1xf32>, vector<512x1xf32>, vector<512x1xf32>, vector<512x1xf32> -> vector<512x8xf32>
      %swap3A_365 = arith.constant 0 : index
      %swap3A_366 = arith.constant 0 : index
      %swap3A_367 = vector.load %arg8[%swap3A_365, %swap3A_366] : memref<512x8xf32, #tpu.memory_space<vmem>>, vector<512x8xf32>
      tpu.vector_store %arg8[%swap3A_365, %swap3A_366], %concatenate3A_364 {strides = array<i32>} : memref<512x8xf32, #tpu.memory_space<vmem>>, vector<512x8xf32>,
    } else {
    }
    return
  }
  func.func @transform_0(%arg0: i32, %arg1: i32) -> (i32, i32, i32) {
    %c0_i32 = arith.constant 0 : i32
    %c0_i32_0 = arith.constant 0 : i32
    return %arg0, %arg1, %c0_i32 : i32, i32, i32
  }
  func.func @transform_1(%arg0: i32, %arg1: i32) -> (i32, i32) {
    %c0_i32 = arith.constant 0 : i32
    %c0_i32_0 = arith.constant 0 : i32
    %c0_i32_1 = arith.constant 0 : i32
    return %c0_i32, %c0_i32_0 : i32, i32
  }
  func.func @transform_2(%arg0: i32, %arg1: i32) -> (i32, i32) {
    %c0_i32 = arith.constant 0 : i32
    %c0_i32_0 = arith.constant 0 : i32
    %c0_i32_1 = arith.constant 0 : i32
    return %c0_i32, %c0_i32_0 : i32, i32
  }
  func.func @transform_3(%arg0: i32, %arg1: i32) -> (i32, i32) {
    %c0_i32 = arith.constant 0 : i32
    %c0_i32_0 = arith.constant 0 : i32
    %c0_i32_1 = arith.constant 0 : i32
    return %c0_i32, %c0_i32_0 : i32, i32
  }
  func.func @transform_4(%arg0: i32, %arg1: i32) -> (i32, i32) {
    %c0_i32 = arith.constant 0 : i32
    %c0_i32_0 = arith.constant 0 : i32
    %c0_i32_1 = arith.constant 0 : i32
    return %c0_i32, %c0_i32_0 : i32, i32
  }
  func.func @transform_5(%arg0: i32, %arg1: i32) -> (i32, i32) {
    %mul3A = arith.constant 4 : i32
    %mul3A_0 = arith.muli %arg0, %mul3A : i32
    %add3A = arith.addi %mul3A_0, %arg1 : i32
    %c0_i32 = arith.constant 0 : i32
    %c0_i32_1 = arith.constant 0 : i32
    return %add3A, %c0_i32 : i32, i32
  }
  func.func @transform_6(%arg0: i32, %arg1: i32) -> (i32, i32) {
    %mul3A = arith.constant 4 : i32
    %mul3A_0 = arith.muli %arg0, %mul3A : i32
    %add3A = arith.addi %mul3A_0, %arg1 : i32
    %c0_i32 = arith.constant 0 : i32
    %c0_i32_1 = arith.constant 0 : i32
    return %add3A, %c0_i32 : i32, i32
  }
  func.func @transform_7(%arg0: i32, %arg1: i32) -> (i32, i32, i32) {
    %c0_i32 = arith.constant 0 : i32
    %c0_i32_0 = arith.constant 0 : i32
    return %arg0, %arg1, %c0_i32 : i32, i32, i32
  }
}

</mosaic_0001>

<sc_bundles>
// kernel: kernel.5.cloned.1.call-start
scs
__scs_entry_jumppad:
0x0: {  	(pc) =	sbr.rel $0x88, $3  }
0x1: {  	(tag) =	ssettag $0x0;
	lr =	simm.s32 $0x1  }
0x2: {  	[smem:$0x3F9B] =	sst lr;
	_ =	strace $0xD0000000  }
0x3: {  	_ = 	snop  }
0x4: {  	_ = 	snop  }
0x5: {  	_ = 	snop  }
0x6: {  	_ = 	snop  }
0x7: {  	_ = 	snop  }
__scs_overlays_trampoline_lowered:
0x8: {  	[smem:$0x3FAA] =	sst s0  }
0x9: {  	[smem:$0x3FAB] =	sst s1  }
0xa: {  	[smem:$0x3FAC] =	sst s2  }
0xb: {  	[smem:$0x3FAD] =	sst s3  }
0xc: {  	[smem:$0x3FAE] =	sst s4  }
0xd: {  	[smem:$0x3FAF] =	sst s5  }
0xe: {  	[smem:$0x3FB0] =	sst s6  }
0xf: {  	[smem:$0x3FB1] =	sst s7  }
0x10: {  	[smem:$0x3FB2] =	sst s8  }
0x11: {  	[smem:$0x3FB3] =	sst s9;
	s0 =	simm.s32 @!p0 $0x0  }
0x12: {  	s1 =	sld [smem:$0x3F99];
	s0 =	simm.s32 @p0 $0x1  }
0x13: {  	[smem:$0x3FB4] =	sst s0;
	s0 =	simm.s32 @!p1 $0x0  }
0x14: {  	s2 =	sld [smem:$0x3F98];
	s0 =	simm.s32 @p1 $0x1  }
0x15: {  	[smem:$0x3FB5] =	sst s0;
	s0 =	simm.s32 @!p2 $0x0  }
0x16: {  	s3 =	sld [smem:$0x3FDB];
	s0 =	simm.s32 @p2 $0x1  }
0x17: {  	s4 =	simm.s32 $0x1BF5;
	[smem:$0x3FB7] =	sst s0  }
0x18: {  	s0 =	sld [smem:$0x3F9A];
	_ =	swait.ge [sflag:s4], $0x0  }
0x19: {  	s7 =	sld [smem:$0x3F9B]  }
0x1a: {  	s8 =	sadd.s32 $0xFFFFE003, lr  }
0x1b: {  	s9 =	sadd.s32 $0xFFFFFEF7, lr;
	s5 =	simm.s32 $0xFFFFFFFF;
	p2 =	slt.u32 s8, $0xFFFFF086  }
0x1c: {  	p1 =	slt.u32 s9, $0xF7A;
	s5 =	simm.s32 @!p2 $0x0  }
0x1d: {  	s5 =	simm.s32 @p1 $0x1;
	p0 =	seq.s32 s7, s2  }
0x1e: {  	s7 =	smul.u32 @!p0 $0xF7A, s2;
	p2 =	seq.s32 @!p0 s5, $0x0  }
0x1f: {  	s9 =	smul.u32 $0xF7A, s1;
	s8 =	simm.s32 @!p0 $0x1BF5;
	p2 =	por !p2, p0  }
0x20: {  	[sflag:s8] =	ssyncset.s32 @!p0 $0xFFFFF086;
	s6 =	sadd.s32 @!p0 s3, s7;
	s7 =	simm.s32 @!p0 $0x108  }
0x21: {  	s3 =	sadd.s32 s3, s9;
	s6 =	sadd.s32 @!p0 $0x88, s6;
	s7 =	simm.s32 @p2 $0x1082  }
0x22: {  	[simem:s7], [sflag:s8] =	dma.local @!p0 [hbm:s6], $0xF7A  }
0x23: {  	s9 =	sor.u32 $0xD0000000, s2;
	s6 =	simm.s32 $0x108;
	_ =	swait.ge @!p0 [sflag:s8], $0x0  }
0x24: {  	s3 =	sadd.s32 $0x88, s3;
	s6 =	simm.s32 @!p1 $0x1082;
	[sflag:s4] =	ssyncset.s32 $0xFFFFF086  }
0x25: {  	[simem:s6], [sflag:s4] =	dma.local [hbm:s3], $0xF7A  }
0x26: {  	[smem:$0x3F9B] =	sst s1;
	(tag) =	ssettag s2;
	_ =	strace s9  }
0x27: {  	s1 =	sld [smem:$0x3FAB]  }
0x28: {  	s2 =	sld [smem:$0x3FAC]  }
0x29: {  	s4 =	sld [smem:$0x3FAE]  }
0x2a: {  	p0 =	seq.s32 s5, $0x0;
	s5 =	sld [smem:$0x3FAF]  }
0x2b: {  	s6 =	sld [smem:$0x3FB0]  }
0x2c: {  	s7 =	sld [smem:$0x3FB1]  }
0x2d: {  	s3 =	simm.s32 $0x108;
	s8 =	sld [smem:$0x3FB2]  }
0x2e: {  	s3 =	simm.s32 @!p0 $0x1082;
	s9 =	sld [smem:$0x3FB3]  }
0x2f: {  	lr =	sadd.s32 s0, s3;
	s0 =	sld [smem:$0x3FAA]  }
0x30: {  	s3 =	sld [smem:$0x3FAD]  }
0x31: {  	[smem:$0x3FB6] =	sst s10  }
0x32: {  	s10 =	sld [smem:$0x3FB4];
	_ =	sdelay $0x3  }
0x33: {  	p0 =	seq.s32 s10, $0x1;
	s10 =	sld [smem:$0x3FB6];
	_ =	sdelay $0x3  }
0x34: {  	[smem:$0x3FB6] =	sst s10  }
0x35: {  	s10 =	sld [smem:$0x3FB5];
	_ =	sdelay $0x3  }
0x36: {  	p1 =	seq.s32 s10, $0x1;
	s10 =	sld [smem:$0x3FB6];
	_ =	sdelay $0x3  }
0x37: {  	[smem:$0x3FB6] =	sst s10  }
0x38: {  	s10 =	sld [smem:$0x3FB7]  }
0x39: {  	_ = 	snop;
	(pc) =	sbr.ind lr, $3  }
0x3a: {  	_ = 	snop  }
0x3b: {  	_ = 	snop  }
0x3c: {  	p2 =	seq.s32 s10, $0x1;
	s10 =	sld [smem:$0x3FB6]  }
0x3d: {  	_ =	shalt  }
0x3e: {  	_ =	shalt  }
0x3f: {  	_ =	shalt  }
0x40: {  	_ =	shalt  }
0x41: {  	_ =	shalt  }
0x42: {  	_ =	shalt  }
0x43: {  	_ =	shalt  }
0x44: {  	_ =	shalt  }
0x45: {  	_ =	shalt  }
0x46: {  	_ =	shalt  }
0x47: {  	_ =	shalt  }
0x48: {  	_ =	shalt  }
0x49: {  	_ =	shalt  }
0x4a: {  	_ =	shalt  }
0x4b: {  	_ =	shalt  }
0x4c: {  	_ =	shalt  }
0x4d: {  	_ =	shalt  }
0x4e: {  	_ =	shalt  }
0x4f: {  	_ =	shalt  }
0x50: {  	_ =	shalt  }
0x51: {  	_ =	shalt  }
0x52: {  	_ =	shalt  }
0x53: {  	_ =	shalt  }
0x54: {  	_ =	shalt  }
0x55: {  	_ =	shalt  }
0x56: {  	_ =	shalt  }
0x57: {  	_ =	shalt  }
0x58: {  	_ =	shalt  }
0x59: {  	_ =	shalt  }
0x5a: {  	_ =	shalt  }
0x5b: {  	_ =	shalt  }
0x5c: {  	_ =	shalt  }
0x5d: {  	_ =	shalt  }
0x5e: {  	_ =	shalt  }
0x5f: {  	_ =	shalt  }
0x60: {  	_ =	shalt  }
0x61: {  	_ =	shalt  }
0x62: {  	_ =	shalt  }
0x63: {  	_ =	shalt  }
0x64: {  	_ =	shalt  }
0x65: {  	_ =	shalt  }
0x66: {  	_ =	shalt  }
0x67: {  	_ =	shalt  }
0x68: {  	_ =	shalt  }
0x69: {  	_ =	shalt  }
0x6a: {  	_ =	shalt  }
0x6b: {  	_ =	shalt  }
0x6c: {  	_ =	shalt  }
0x6d: {  	_ =	shalt  }
0x6e: {  	_ =	shalt  }
0x6f: {  	_ =	shalt  }
0x70: {  	_ =	shalt  }
0x71: {  	_ =	shalt  }
0x72: {  	_ =	shalt  }
0x73: {  	_ =	shalt  }
0x74: {  	_ =	shalt  }
0x75: {  	_ =	shalt  }
0x76: {  	_ =	shalt  }
0x77: {  	_ =	shalt  }
0x78: {  	_ =	shalt  }
0x79: {  	_ =	shalt  }
0x7a: {  	_ =	shalt  }
0x7b: {  	_ =	shalt  }
0x7c: {  	_ =	shalt  }
0x7d: {  	_ =	shalt  }
0x7e: {  	_ =	shalt  }
0x7f: {  	_ =	shalt  }
0x80: {  	_ =	shalt  }
0x81: {  	_ =	shalt  }
0x82: {  	_ =	shalt  }
0x83: {  	_ =	shalt  }
0x84: {  	_ =	shalt  }
0x85: {  	_ =	shalt  }
0x86: {  	_ =	shalt  }
0x87: {  	_ =	shalt  }
.Lfunc_end0:
.L_simem_size_0:
called_computation_lowered:
.L_overlay_start_0:
0x88: {  	s2 =	sld [smem:$0x3FD9]  }
0x89: {  	s3 =	sld [smem:$0x3FFE];
	_ =	sdelay $0x1  }
0x8a: {  	s1 =	srdreg.scid  }
0x8b: {  	s0 =	sand.u32 $0x1, s1  }
0x8c: {  	s14 =	sshll.u32 s0, $0xA;
	s2 =	sadd.s32 s3, s2  }
0x8d: {  	s2 =	sadd.s32 s2, s14  }
0x8e: {  	[smem:$0x3FC2] =	sst s2  }
0x8f: {  	_ = 	snop  }
0x90: {  	s2 =	sld [smem:$0x3FD0];
	_ =	sdelay $0x2  }
0x91: {  	s15 =	simm.s32 $0xA;
	s4 =	simm.s32 $0x10  }
0x92: {  	[smem:s4], [sflag:s15] =	dma.local [hbm:s2], $0x1  }
0x93: {  	_ =	swait.eq [sflag:s15], $0x1  }
0x94: {  	[sflag:s15] =	ssyncset.done $0x0  }
0x95: {  	[sflag:s15] =	ssyncadd.s32 $0xFFFFFFFF  }
0x96: {  	s16 =	sld [smem:$0x11];
	(tm) =	ssettm $0x1  }
0x97: {  	s17 =	sld [smem:$0x3FFB];
	_ =	sdelay $0x3  }
0x98: {  	_ =	strace s17  }
0x99: {  	s3 =	sld [smem:$0x3FFC];
	_ =	sdelay $0x3  }
0x9a: {  	_ =	strace s3  }
0x9b: {  	s3 =	sld [smem:$0x3FFD];
	_ =	sdelay $0x3  }
0x9c: {  	_ =	strace s3  }
0x9d: {  	_ =	strace $0x8FFFFFFF  }
0x9e: {  	s18 =	sld [smem:$0x3FDB];
	_ =	sdelay $0x1  }
0x9f: {  	s19 =	simm.s32 $_scs_section_size  }
0xa0: {  	s5 =	simm.s32 $_size__tile_overlayer_lowered;
	s6 =	simm.s32 $_tile_overlayer_lowered  }
0xa1: {  	s22 =	simm.s32 $0x1BFF;
	s21 =	sshll.u32 s6, $0x1;
	s3 =	sadd.s32 s19, s18  }
0xa2: {  	s7 =	simm.s32 $0x0;
	s20 =	sshll.u32 s5, $0x1;
	s5 =	sadd.s32 s21, s3  }
0xa3: {  	[timem:s7], [sflag:s22] =	dma.local [hbm:s5], s20  }
0xa4: {  	_ =	swait.ge [sflag:s22], s20  }
0xa5: {  	s4 =	ssub.s32 $0x0, s20;
	[sflag:s22] =	ssyncset.done $0x0  }
0xa6: {  	[sflag:s22] =	ssyncadd.s32 s4;
	_ =	sdelay $0x1  }
0xa7: {  	s23 =	simm.s32 $0x1B8B  }
0xa8: {  	_ =	swait.ge [sflag:s23], $0x1  }
0xa9: {  	[sflag:s23] =	ssyncset.done $0x0  }
0xaa: {  	s25 =	simm.s32 $0x1B8E;
	s24 =	sld [smem:$0x3FFE];
	[sflag:s23] =	ssyncadd.s32 $0xFFFFFFFF  }
0xab: {  	s26 =	simm.s32 $execute0_lowered;
	[smem:$0x3FD2] =	sst s25  }
0xac: {  	s5 =	sshll.u32 s26, $0x1;
	_ =	strace $0x80000046;
	[dreg:$0x1] =	wrdreg $0xFFFFFFFF  }
0xad: {  	s28 =	simm.s32 $_size_execute0_lowered;
	s3 =	sadd.s32 s3, s5;
	[dreg:$0x0] =	wrdreg $0x0  }
0xae: {  	s5 =	sshll.u32 s28, $0x1;
	[dreg:$0x2] =	wrdreg s3  }
0xaf: {  	[dreg:$0x3] =	wrdreg s5  }
0xb0: {  	[dreg:$0x4] =	wrdreg $0xC0  }
0xb1: {  	_ =	task [dreg:s7], $0x5FFFF  }
0xb2: {  	[dreg:$0x1] =	wrdreg $0xFFFFFFFF  }
0xb3: {  	[dreg:$0x0] =	wrdreg $0x60  }
0xb4: {  	[dreg:$0x2] =	wrdreg s24  }
0xb5: {  	[dreg:$0x3] =	wrdreg s16  }
0xb6: {  	[dreg:$0x4] =	wrdreg $0x9  }
0xb7: {  	_ =	task.clear_ibuf [dreg:s7], $0x5FFFF;
	_ =	strace $0x90000046  }
0xb8: {  	s29 =	simm.s32 $0x9;
	_ =	strace $0x80000048  }
0xb9: {  	_ =	swait.ge [sflag:s29], $0x1  }
0xba: {  	[sflag:s29] =	ssyncadd.s32 $0xFFFFFFFF  }
0xbb: {  	_ =	strace $0x90000048  }
0xbc: {  	_ =	sfence  }
0xbd: {  	s30 =	sld [smem:$0x0];
	_ =	sdelay $0x2  }
0xbe: {  	s31 =	sshll.u32 s1, $0xD;
	s1 =	sshrl.u32 s1, $0x2  }
0xbf: {  	s3 =	sand.u32 $0x4000, s31;
	s1 =	sadd.s32 s1, s30  }
0xc0: {  	s0 =	sor.u32 s3, s0;
	s1 =	sshll.u32 s1, $0x11  }
0xc1: {  	s0 =	sor.u32 s1, s0  }
0xc2: {  	s0 =	sadd.s32 $0x8F2B, s0  }
0xc3: {  	[sflag:s0] =	ssyncadd.remote.s32 $0x1  }
0xc4: {  	_ =	sfence.sel $0xFFFF  }
0xc5: {  	[dreg:$0x0] =	wrdreg $0xFFFFFFFF;
	(pc) =	sbr.abs _section_cstart, $3  }
0xc6: {  	[dreg:$0x1] =	wrdreg $0xFFFFFFFF  }
0xc7: {  	_ =	task.clear_ibuf [dreg:s7], $0x2FFFF;
	_ =	strace $0x9FFFFFFF  }
0xc8: {  	(tm) =	ssettm $0x7FFFFFFF  }
0xc9: {  	_ =	shalt  }
tec
execute0_lowered:
.L_overlay_start_1:
0x0: {  	(tag) =	ssettag $0x1  }
0x1: {  	s5 =	rddreg [dreg:$0x0]  }
0x2: {  	s2 =	rddreg [dreg:$0x1];
	s3 =	srdreg.scid  }
0x3: {  	s0 =	rddreg [dreg:$0x2];
	s1 =	stileid.u32;
	s12 =	simm.s32 $0x4000  }
0x4: {  	s13 =	simm.s32 $0x80;
	s14 =	simm.s32 $0x1;
	s15 =	simm.s32 $0x0  }
0x5: {  	s7 =	sand.u32 $0x1, s3;
	s3 =	simm.s32 $0x0;
	s4 =	sshll.u32 s1, $0xB  }
0x6: {  	s10 =	sshll.u32 s1, $0x12;
	s6 =	sshll.u32 s7, $0xA;
	[smem:$0x7FF] =	sst s3  }
0x7: {  	s31 =	ssub.s32 $0x2, s7;
	s11 =	sshll.u32 s7, $0x11;
	s4 =	sor.u32 s6, s4  }
0x8: {  	_ =	strace $0x80000047;
	s9 =	sshrl.u32 s31, $0x1;
	s8 =	sadd.s32 s4, s5  }
0x9: {  	s5 =	sadd.s32 $0x11200, s5;
	s9 =	ssub.s32 s31, s9;
	s6 =	sadd.s32 $0x1200, s8  }
0xa: {  	v0 =	vlaneseq.u32;
	s10 =	sadd.s32 s10, s5;
	s7 =	sadd.s32 $0x9200, s8;
	s8 =	smax.u32 s9, $0x1  }
0xb: {  	v0 =	vmul.u32 $0x400, v0;
	s9 =	sadd.s32 s11, s10;
	s10 =	simm.s32 $0x2;
	s11 =	simm.s32 $0x2000  }
.LBB2_1:
0xc: {  	[tilespmem:s3], [sflag:$0x2] =	stream.linear.gather [hbm4b:s6+s3], $0x2000, $0x38;
	[tilespmem:$0xA000] =	vst v63  }
0xd: {  	_ =	swait.ge [sflag:s10], $0x2000  }
0xe: {  	[sflag:s10] =	ssyncset.done $0x0  }
0xf: {  	[sflag:s10] =	ssyncadd.s32 $0xFFFFE000  }
0x10: {  	[tilespmem:s11], [sflag:$0x2] =	stream.linear.gather [hbm4b:s7+s3], $0x2000, $0x38;
	[tilespmem:$0xA000] =	vst v63  }
0x11: {  	_ =	swait.ge [sflag:s10], $0x2000  }
0x12: {  	[sflag:s10] =	ssyncset.done $0x0  }
0x13: {  	[sflag:s10] =	ssyncadd.s32 $0xFFFFE000  }
0x14: {  	[tilespmem:s12], [sflag:$0x2] =	stream.linear.gather [hbm4b:s2+s3], $0x4000, $0x38;
	[tilespmem:$0xA000] =	vst v63  }
0x15: {  	_ =	swait.ge [sflag:s10], $0x4000  }
0x16: {  	[sflag:s10] =	ssyncset.done $0x0  }
0x17: {  	s17 =	simm.s32 $0x0;
	[sflag:s10] =	ssyncadd.s32 $0xFFFFC000  }
.LBB2_2:
0x18: {  	p0 =	sne.s32 s17, $0x1F800  }
.Ltmp0:
0x19: {  	s18 =	sadd.s32 s17, s9;
	s16 =	simm.s32 $0x0;
	(pc) =	sbr.rel @p0 .LBB2_2-.Ltmp0, $4  }
0x1a: {  	[hbm4b:s18+s16] =	stream.linear.scatter [tilespmem:s12], [sflag:$0x2], $0x4000, $0x38;
	[tilespmem:$0xA000] =	vst v63  }
0x1b: {  	_ =	swait.ge [sflag:s10], $0x4000  }
0x1c: {  	[sflag:s10] =	ssyncset.done $0x0  }
0x1d: {  	s17 =	sadd.s32 $0x800, s17;
	[sflag:s10] =	ssyncadd.s32 $0xFFFFC000  }
0x1e: {  	s17 =	sand.u32 $0x380, s16  }
0x1f: {  	s18 =	sand.u32 $0x380, s16;
	s19 =	sshll.u32 s17, $0x3  }
0x20: {  	s21 =	sor.u32 s18, s19  }
0x21: {  	v1 =	vld [tilespmem:s21+$0x0]  }
0x22: {  	s25 =	sor.u32 s4, s17  }
0x23: {  	v2 =	vmov s25  }
0x24: {  	v2 =	vshll.u32 v2, $0xA  }
0x25: {  	v2 =	vor.u32 v0, v2  }
0x26: {  	s19 =	simm.s32 $0x8040;
	v1 =	vadd.s32 v2, v1  }
0x27: {  	[tilespmem:s19+$0xFFFFFFC0] =	vst v1  }
0x28: {  	v1 =	vld [tilespmem:s21+$0x10]  }
0x29: {  	s20 =	sor.u32 $0x10, s25  }
0x2a: {  	v2 =	vmov s20  }
0x2b: {  	v2 =	vshll.u32 v2, $0xA  }
0x2c: {  	v2 =	vor.u32 v0, v2  }
0x2d: {  	v1 =	vadd.s32 v2, v1  }
0x2e: {  	[tilespmem:s19+$0xFFFFFFD0] =	vst v1  }
0x2f: {  	v1 =	vld [tilespmem:s21+$0x20]  }
0x30: {  	s26 =	sor.u32 $0x20, s25  }
0x31: {  	v2 =	vmov s26  }
0x32: {  	v2 =	vshll.u32 v2, $0xA  }
0x33: {  	v2 =	vor.u32 v0, v2  }
0x34: {  	v1 =	vadd.s32 v2, v1  }
0x35: {  	[tilespmem:s19+$0xFFFFFFE0] =	vst v1  }
0x36: {  	v1 =	vld [tilespmem:s21+$0x30]  }
0x37: {  	s28 =	sor.u32 $0x30, s25  }
0x38: {  	v2 =	vmov s28  }
0x39: {  	v2 =	vshll.u32 v2, $0xA  }
0x3a: {  	v2 =	vor.u32 v0, v2  }
0x3b: {  	v1 =	vadd.s32 v2, v1  }
0x3c: {  	[tilespmem:s19+$0xFFFFFFF0] =	vst v1  }
0x3d: {  	v1 =	vld [tilespmem:s21+$0x40]  }
0x3e: {  	s29 =	sor.u32 $0x40, s25  }
0x3f: {  	v2 =	vmov s29  }
0x40: {  	v2 =	vshll.u32 v2, $0xA  }
0x41: {  	v2 =	vor.u32 v0, v2  }
0x42: {  	v1 =	vadd.s32 v2, v1  }
0x43: {  	[tilespmem:s19+$0x0] =	vst v1  }
0x44: {  	v1 =	vld [tilespmem:s21+$0x50]  }
0x45: {  	s30 =	sor.u32 $0x50, s25  }
0x46: {  	v2 =	vmov s30  }
0x47: {  	v2 =	vshll.u32 v2, $0xA  }
0x48: {  	v2 =	vor.u32 v0, v2  }
0x49: {  	v1 =	vadd.s32 v2, v1  }
0x4a: {  	[tilespmem:s19+$0x10] =	vst v1  }
0x4b: {  	v1 =	vld [tilespmem:s21+$0x60]  }
0x4c: {  	s31 =	sor.u32 $0x60, s25  }
0x4d: {  	v2 =	vmov s31  }
0x4e: {  	v2 =	vshll.u32 v2, $0xA  }
0x4f: {  	v2 =	vor.u32 v0, v2  }
0x50: {  	v1 =	vadd.s32 v2, v1  }
0x51: {  	[tilespmem:s19+$0x20] =	vst v1  }
0x52: {  	v1 =	vld [tilespmem:s21+$0x70]  }
0x53: {  	s18 =	sor.u32 $0x70, s25  }
0x54: {  	v2 =	vmov s18  }
0x55: {  	s22 =	simm.s32 $0x10;
	s20 =	simm.s32 $0x80;
	v2 =	vshll.u32 v2, $0xA  }
0x56: {  	s24 =	sand.u32 $0x380, s20;
	s18 =	simm.s32 $0x10;
	s21 =	simm.s32 $0x20;
	v2 =	vor.u32 v0, v2  }
.LBB2_4:
0x57: {  	p0 =	sne.s32 s21, $0x3F0;
	s22 =	sand.u32 $0x380, s22;
	s23 =	sshll.u32 s24, $0x3;
	v1 =	vadd.s32 v2, v1  }
0x58: {  	s23 =	sor.u32 s22, s23;
	[tilespmem:s19+$0x30] =	vst v1;
	s22 =	smov.u32 s21  }
0x59: {  	v1 =	vld [tilespmem:s23+$0x0]  }
0x5a: {  	s24 =	sor.u32 s4, s24  }
0x5b: {  	v2 =	vmov s24  }
0x5c: {  	v2 =	vshll.u32 v2, $0xA  }
0x5d: {  	v2 =	vor.u32 v0, v2  }
0x5e: {  	s19 =	sadd.s32 $0x80, s19;
	v1 =	vadd.s32 v2, v1  }
0x5f: {  	[tilespmem:s19+$0xFFFFFFC0] =	vst v1  }
0x60: {  	v1 =	vld [tilespmem:s23+$0x10]  }
0x61: {  	s25 =	sor.u32 $0x10, s24  }
0x62: {  	v2 =	vmov s25  }
0x63: {  	v2 =	vshll.u32 v2, $0xA  }
0x64: {  	v2 =	vor.u32 v0, v2  }
0x65: {  	v1 =	vadd.s32 v2, v1  }
0x66: {  	[tilespmem:s19+$0xFFFFFFD0] =	vst v1  }
0x67: {  	v1 =	vld [tilespmem:s23+$0x20]  }
0x68: {  	s25 =	sor.u32 $0x20, s24  }
0x69: {  	v2 =	vmov s25  }
0x6a: {  	v2 =	vshll.u32 v2, $0xA  }
0x6b: {  	v2 =	vor.u32 v0, v2  }
0x6c: {  	v1 =	vadd.s32 v2, v1  }
0x6d: {  	[tilespmem:s19+$0xFFFFFFE0] =	vst v1  }
0x6e: {  	v1 =	vld [tilespmem:s23+$0x30]  }
0x6f: {  	s25 =	sor.u32 $0x30, s24  }
0x70: {  	v2 =	vmov s25  }
0x71: {  	v2 =	vshll.u32 v2, $0xA  }
0x72: {  	v2 =	vor.u32 v0, v2  }
0x73: {  	v1 =	vadd.s32 v2, v1  }
0x74: {  	[tilespmem:s19+$0xFFFFFFF0] =	vst v1  }
0x75: {  	v1 =	vld [tilespmem:s23+$0x40]  }
0x76: {  	s25 =	sor.u32 $0x40, s24  }
0x77: {  	v2 =	vmov s25  }
0x78: {  	v2 =	vshll.u32 v2, $0xA  }
0x79: {  	v2 =	vor.u32 v0, v2  }
0x7a: {  	v1 =	vadd.s32 v2, v1  }
0x7b: {  	[tilespmem:s19+$0x0] =	vst v1  }
0x7c: {  	v1 =	vld [tilespmem:s23+$0x50]  }
0x7d: {  	s25 =	sor.u32 $0x50, s24  }
0x7e: {  	v2 =	vmov s25  }
0x7f: {  	v2 =	vshll.u32 v2, $0xA  }
0x80: {  	v2 =	vor.u32 v0, v2  }
0x81: {  	v1 =	vadd.s32 v2, v1  }
0x82: {  	[tilespmem:s19+$0x10] =	vst v1  }
0x83: {  	v1 =	vld [tilespmem:s23+$0x60]  }
0x84: {  	s25 =	sor.u32 $0x60, s24  }
0x85: {  	v2 =	vmov s25  }
0x86: {  	v2 =	vshll.u32 v2, $0xA  }
0x87: {  	v2 =	vor.u32 v0, v2  }
0x88: {  	v1 =	vadd.s32 v2, v1  }
0x89: {  	[tilespmem:s19+$0x20] =	vst v1  }
.Ltmp1:
0x8a: {  	v1 =	vld [tilespmem:s23+$0x70];
	(pc) =	sbr.rel @p0 .LBB2_4-.Ltmp1, $4  }
0x8b: {  	s23 =	sor.u32 $0x70, s24  }
0x8c: {  	v2 =	vmov s23  }
0x8d: {  	s20 =	sadd.s32 $0x80, s20;
	v2 =	vshll.u32 v2, $0xA  }
0x8e: {  	s21 =	sadd.s32 $0x10, s21;
	s24 =	sand.u32 $0x380, s20;
	v2 =	vor.u32 v0, v2  }
0x8f: {  	s20 =	sand.u32 $0x380, s22;
	s21 =	sshll.u32 s24, $0x3;
	v1 =	vadd.s32 v2, v1  }
0x90: {  	s20 =	sor.u32 s20, s21;
	[tilespmem:s19+$0x30] =	vst v1  }
0x91: {  	v1 =	vld [tilespmem:s20+$0x0]  }
0x92: {  	s31 =	sor.u32 s4, s24  }
0x93: {  	v2 =	vmov s31  }
0x94: {  	v2 =	vshll.u32 v2, $0xA  }
0x95: {  	v2 =	vor.u32 v0, v2  }
0x96: {  	s23 =	sadd.s32 $0x80, s19;
	v1 =	vadd.s32 v2, v1  }
0x97: {  	[tilespmem:s23+$0xFFFFFFC0] =	vst v1  }
0x98: {  	v1 =	vld [tilespmem:s20+$0x10]  }
0x99: {  	s24 =	sor.u32 $0x10, s31  }
0x9a: {  	v2 =	vmov s24  }
0x9b: {  	v2 =	vshll.u32 v2, $0xA  }
0x9c: {  	v2 =	vor.u32 v0, v2  }
0x9d: {  	v1 =	vadd.s32 v2, v1  }
0x9e: {  	[tilespmem:s23+$0xFFFFFFD0] =	vst v1  }
0x9f: {  	v1 =	vld [tilespmem:s20+$0x20]  }
0xa0: {  	s25 =	sor.u32 $0x20, s31  }
0xa1: {  	v2 =	vmov s25  }
0xa2: {  	v2 =	vshll.u32 v2, $0xA  }
0xa3: {  	v2 =	vor.u32 v0, v2  }
0xa4: {  	v1 =	vadd.s32 v2, v1  }
0xa5: {  	[tilespmem:s23+$0xFFFFFFE0] =	vst v1  }
0xa6: {  	v1 =	vld [tilespmem:s20+$0x30]  }
0xa7: {  	s26 =	sor.u32 $0x30, s31  }
0xa8: {  	v2 =	vmov s26  }
0xa9: {  	v2 =	vshll.u32 v2, $0xA  }
0xaa: {  	v2 =	vor.u32 v0, v2  }
0xab: {  	v1 =	vadd.s32 v2, v1  }
0xac: {  	[tilespmem:s23+$0xFFFFFFF0] =	vst v1  }
0xad: {  	v1 =	vld [tilespmem:s20+$0x40]  }
0xae: {  	s28 =	sor.u32 $0x40, s31  }
0xaf: {  	v2 =	vmov s28  }
0xb0: {  	v2 =	vshll.u32 v2, $0xA  }
0xb1: {  	v2 =	vor.u32 v0, v2  }
0xb2: {  	v1 =	vadd.s32 v2, v1  }
0xb3: {  	[tilespmem:s23+$0x0] =	vst v1  }
0xb4: {  	v1 =	vld [tilespmem:s20+$0x50]  }
0xb5: {  	s29 =	sor.u32 $0x50, s31  }
0xb6: {  	v2 =	vmov s29  }
0xb7: {  	v2 =	vshll.u32 v2, $0xA  }
0xb8: {  	v2 =	vor.u32 v0, v2  }
0xb9: {  	v1 =	vadd.s32 v2, v1  }
0xba: {  	[tilespmem:s23+$0x10] =	vst v1  }
0xbb: {  	v1 =	vld [tilespmem:s20+$0x60]  }
0xbc: {  	s30 =	sor.u32 $0x60, s31  }
0xbd: {  	v2 =	vmov s30  }
0xbe: {  	v2 =	vshll.u32 v2, $0xA  }
0xbf: {  	v2 =	vor.u32 v0, v2  }
0xc0: {  	v1 =	vadd.s32 v2, v1  }
0xc1: {  	[tilespmem:s23+$0x20] =	vst v1  }
0xc2: {  	v1 =	vld [tilespmem:s20+$0x70]  }
0xc3: {  	s31 =	sor.u32 $0x70, s31  }
0xc4: {  	v2 =	vmov s31  }
0xc5: {  	v2 =	vshll.u32 v2, $0xA  }
0xc6: {  	s16 =	sand.u32 $0x1C00, s16;
	v2 =	vor.u32 v0, v2  }
0xc7: {  	s17 =	sor.u32 s17, s16;
	v1 =	vadd.s32 v2, v1  }
0xc8: {  	s16 =	simm.s32 $0x8000;
	s17 =	sor.u32 $0x2000, s17;
	[tilespmem:s23+$0x30] =	vst v1  }
0xc9: {  	[hbm4b:s5+s13] =	stream.indirect.scatter [tilespmem:s17], [sflag:$0x1], $0x1, s16, s13, $0xb8;
	[tilespmem:$0xA000] =	vst v63  }
0xca: {  	s17 =	simm.s32 $0x400;
	_ =	swait.ge [sflag:s14], $0x80  }
.LBB2_6:
0xcb: {  	s19 =	sand.u32 $0x1C00, s17;
	s20 =	sand.u32 $0x380, s18  }
0xcc: {  	[sflag:s14] =	ssyncset.done $0x0;
	s16 =	sadd.s32 $0x80, s16;
	p0 =	sne.s32 s18, $0x3F0  }
.Ltmp2:
0xcd: {  	s19 =	sor.u32 s20, s19;
	[sflag:s14] =	ssyncadd.s32 $0xFFFFFF80;
	(pc) =	sbr.rel @p0 .LBB2_6-.Ltmp2, $4  }
0xce: {  	s18 =	sadd.s32 $0x10, s18;
	s19 =	sor.u32 $0x2000, s19  }
0xcf: {  	[hbm4b:s5+s13] =	stream.indirect.scatter [tilespmem:s19], [sflag:$0x1], $0x1, s16, s13, $0xb8;
	[tilespmem:$0xA000] =	vst v63  }
0xd0: {  	_ = 	snop  }
0xd1: {  	s17 =	sadd.s32 $0x400, s17;
	_ =	swait.ge [sflag:s14], $0x80  }
0xd2: {  	s15 =	sadd.s32 $0x1, s15  }
0xd3: {  	p0 =	sne.s32 s15, s8  }
.Ltmp3:
0xd4: {  	_ = 	snop;
	(pc) =	sbr.rel @p0 .LBB2_1-.Ltmp3, $3  }
0xd5: {  	_ =	sdelay $0x1  }
0xd6: {  	[sflag:s14] =	ssyncset.done $0x0  }
0xd7: {  	[sflag:s14] =	ssyncadd.s32 $0xFFFFFF80  }
0xd8: {  	_ =	sfence.sel $0x180000  }
0xd9: {  	[bflag:$0x0] =	sbarrier.arrive $0xFFFF  }
0xda: {  	p0 =	sne.s32 s1, $0x0;
	_ =	strace $0x90000047  }
0xdb: {  	s0 =	sadd.s32 @!p0 $0x100000, s0;
	[bflag:$0x2] =	sbarrier.arrive $0xFFFF  }
0xdc: {  	[sflag:s0] =	ssyncadd.tile.s32 @!p0 $0x1;
	_ =	shalt  }
.Lfunc_end2:
_tile_overlayer_lowered:
.L_overlay_start_2:
0xdd: {  	(tag) =	ssettag $0x2  }
0xde: {  	s0 =	rddreg [dreg:$0x0];
	s2 =	stileid.u32  }
0xdf: {  	s1 =	rddreg [dreg:$0x1];
	p0 =	sne.s32 s2, $0x0  }
0xe0: {  	s3 =	rddreg [dreg:$0x2];
	[bflag:$0x3] =	sbarrier.arrive $0xFFFF;
	s2 =	simm.s32 @!p0 $0x1C02  }
0xe1: {  	[timem:s3], [sflag:s2] =	dma.local @!p0 [hbm:s0], s1  }
0xe2: {  	s0 =	simm.s32 @!p0 $0x2  }
0xe3: {  	_ =	swait.ge @!p0 [sflag:s0], s1  }
0xe4: {  	s1 =	ssub.s32 @!p0 $0x0, s1;
	[sflag:s0] =	ssyncset.done @!p0 $0x0  }
0xe5: {  	[sflag:s0] =	ssyncadd.s32 @!p0 s1  }
0xe6: {  	[bflag:$0x3] =	sbarrier.arrive $0xFFFF  }
0xe7: {  	_ =	shalt  }

</sc_bundles>
